<compile_context>
chip_gen: v7x
topology: tpu7x:2x2x1
jax: 0.10.2.dev20260603
libtpu: 0.0.44.dev20260713+nightly
codegen_flags: <defaults>
</compile_context>

<pallas_src>
import functools

import jax
import jax.numpy as jnp
from jax import lax
from jax.experimental import pallas as pl
from jax.experimental.pallas import tpu as pltpu
from jax.experimental.pallas import tpu_sc as plsc

N = 10000
E = 320000
D = 128
LBL = 8
LAT = 16
NUM_LBL = 32
H = 128
DP = 144
W2 = 2 * LAT

NC, NS = 2, 16
NW = NC * NS
CH = 128
CPW = 80
NCHUNK = NW * CPW
EPAD = NCHUNK * CH
SLAB = 640
NPAD = NS * SLAB
DUMMY = NPAD - CH
BLK = 1000



def _seg_sum_parts(table, src2, dst2, width):
    mesh = plsc.VectorSubcoreMesh(core_axis_name="c", subcore_axis_name="s",
                                  num_cores=NC, num_subcores=NS)

    def body(table_hbm, src_hbm, dst_hbm, out_hbm, src_v, dst_v, rows_v, acc_sh, sem):
        c = lax.axis_index("c")
        s = lax.axis_index("s")
        wid = s * NC + c

        z16 = jnp.zeros((16,), jnp.float32)

        def zrow(r, carry):
            for cc in range(width // 16):
                rows_v[r, pl.ds(cc * 16, 16)] = z16
            return carry

        lax.fori_loop(0, CH, zrow, 0)

        def zslab(j, carry):
            pltpu.sync_copy(rows_v, acc_sh.at[pl.ds(s * SLAB + j * CH, CH)])
            return carry

        lax.fori_loop(0, SLAB // CH, zslab, 0)
        plsc.subcore_barrier()

        c0 = wid * CPW
        pltpu.sync_copy(src_hbm.at[pl.ds(c0, CPW)], src_v)
        pltpu.sync_copy(dst_hbm.at[pl.ds(c0, CPW)], dst_v)

        def step(j, carry):
            pltpu.async_copy(table_hbm.at[src_v.at[j]], rows_v, sem).wait()
            pltpu.sync_copy(rows_v, acc_sh.at[dst_v.at[j]], add=True)
            return carry

        lax.fori_loop(0, CPW, step, 0)
        plsc.subcore_barrier()

        def cout(j, carry):
            off = s * SLAB + j * CH
            pltpu.sync_copy(acc_sh.at[pl.ds(off, CH)], rows_v)
            pltpu.sync_copy(rows_v, out_hbm.at[c].at[pl.ds(off, CH)])
            return carry

        lax.fori_loop(0, SLAB // CH, cout, 0)

    run = pl.kernel(
        body,
        out_type=jax.ShapeDtypeStruct((NC, NPAD, width), jnp.float32),
        mesh=mesh,
        scratch_types=[
            pltpu.VMEM((CPW, CH), jnp.int32),
            pltpu.VMEM((CPW, CH), jnp.int32),
            pltpu.VMEM((CH, width), jnp.float32),
            pltpu.VMEM_SHARED((NPAD, width), jnp.float32),
            pltpu.SemaphoreType.DMA,
        ],
        compiler_params=pltpu.CompilerParams(use_tc_tiling_on_sc=False),
    )
    return run(table, src2, dst2)



def _enc_body(x_ref, y_ref, lab_ref, w1_ref, out_ref):
    yb = y_ref[0, 0, :]
    onehot = (yb[:, None] == lax.broadcasted_iota(jnp.int32, (BLK, NUM_LBL), 1))
    onehot = onehot.astype(jnp.float32)
    t2 = jnp.dot(lab_ref[...], w1_ref[D:, :], preferred_element_type=jnp.float32)
    u = jnp.dot(x_ref[...], w1_ref[:D, :], preferred_element_type=jnp.float32)
    u = u + jnp.dot(onehot, t2, preferred_element_type=jnp.float32)
    out_ref[:, :D] = u
    out_ref[:, D:] = jnp.ones((BLK, DP - D), jnp.float32)


def _mid_body(parts_ref, b1_ref, wcat_ref, out_ref):
    agg = parts_ref[0] + parts_ref[1]
    deg = jnp.clip(agg[:, D:D + 1], 1.0, None)
    h = jnp.maximum(agg[:, :D] / deg + b1_ref[0][None, :], 0.0)
    out_ref[...] = jnp.dot(h, wcat_ref[...], preferred_element_type=jnp.float32)


def _dec_body(p2_ref, pd_ref, eps_ref, y_ref, lab_ref, wd1_ref, bd1_ref,
              wd2_ref, bd2_ref, out_ref):
    agg2 = p2_ref[0] + p2_ref[1]
    deg = jnp.clip(pd_ref[0][:, D:D + 1] + pd_ref[1][:, D:D + 1], 1.0, None)
    hm = agg2 / deg
    mu = hm[:, :LAT]
    logstd = jnp.minimum(hm[:, LAT:], 10.0)
    z = mu + eps_ref[...] * jnp.exp(logstd)
    yb = y_ref[0, 0, :]
    onehot = (yb[:, None] == lax.broadcasted_iota(jnp.int32, (BLK, NUM_LBL), 1))
    onehot = onehot.astype(jnp.float32)
    t3 = jnp.dot(lab_ref[...], wd1_ref[LAT:, :], preferred_element_type=jnp.float32)
    d = (jnp.dot(z, wd1_ref[:LAT, :], preferred_element_type=jnp.float32)
         + jnp.dot(onehot, t3, preferred_element_type=jnp.float32)
         + bd1_ref[0][None, :])
    d = jnp.maximum(d, 0.0)
    out_ref[...] = (jnp.dot(d, wd2_ref[...], preferred_element_type=jnp.float32)
                    + bd2_ref[0][None, :])


def kernel(x, edge_index, y, eps, labelEmb, W1, b1, Wmu, Wls, Wd1, bd1, Wd2, bd2):
    grid = N // BLK
    y3 = y.reshape(grid, 1, BLK)
    pad = EPAD - E
    src2 = jnp.concatenate(
        [edge_index[0], jnp.zeros((pad,), jnp.int32)]).reshape(NCHUNK, CH)
    dst2 = jnp.concatenate(
        [edge_index[1], jnp.full((pad,), DUMMY, jnp.int32)]).reshape(NCHUNK, CH)

    u = pl.pallas_call(
        _enc_body,
        grid=(grid,),
        in_specs=[
            pl.BlockSpec((BLK, D), lambda i: (i, 0)),
            pl.BlockSpec((1, 1, BLK), lambda i: (i, 0, 0)),
            pl.BlockSpec((NUM_LBL, LBL), lambda i: (0, 0)),
            pl.BlockSpec((D + LBL, H), lambda i: (0, 0)),
        ],
        out_specs=pl.BlockSpec((BLK, DP), lambda i: (i, 0)),
        out_shape=jax.ShapeDtypeStruct((N, DP), jnp.float32),
    )(x, y3, labelEmb, W1)

    parts1 = _seg_sum_parts(u, src2, dst2, DP)

    wcat = jnp.concatenate([Wmu, Wls], axis=1)
    hw = pl.pallas_call(
        _mid_body,
        grid=(grid,),
        in_specs=[
            pl.BlockSpec((NC, BLK, DP), lambda i: (0, i, 0)),
            pl.BlockSpec((1, H), lambda i: (0, 0)),
            pl.BlockSpec((H, W2), lambda i: (0, 0)),
        ],
        out_specs=pl.BlockSpec((BLK, W2), lambda i: (i, 0)),
        out_shape=jax.ShapeDtypeStruct((N, W2), jnp.float32),
    )(parts1, b1.reshape(1, H), wcat)

    parts2 = _seg_sum_parts(hw, src2, dst2, W2)

    recon = pl.pallas_call(
        _dec_body,
        grid=(grid,),
        in_specs=[
            pl.BlockSpec((NC, BLK, W2), lambda i: (0, i, 0)),
            pl.BlockSpec((NC, BLK, DP), lambda i: (0, i, 0)),
            pl.BlockSpec((BLK, LAT), lambda i: (i, 0)),
            pl.BlockSpec((1, 1, BLK), lambda i: (i, 0, 0)),
            pl.BlockSpec((NUM_LBL, LBL), lambda i: (0, 0)),
            pl.BlockSpec((LAT + LBL, H), lambda i: (0, 0)),
            pl.BlockSpec((1, H), lambda i: (0, 0)),
            pl.BlockSpec((H, D), lambda i: (0, 0)),
            pl.BlockSpec((1, D), lambda i: (0, 0)),
        ],
        out_specs=pl.BlockSpec((BLK, D), lambda i: (i, 0)),
        out_shape=jax.ShapeDtypeStruct((N, D), jnp.float32),
    )(parts2, parts1, eps, y3, labelEmb, Wd1, bd1.reshape(1, H), Wd2,
      bd2.reshape(1, D))
    return recon

# --- scband reference (transcript-rebuilt; emitter-appended) ---
"""Pipeline reference for scband-variational-ae-72438918414915 (READ-ONLY COPY).

The authoritative reference and input builder live on the scoring server;
editing this copy changes nothing except your own understanding.
"""

import jax, jax.numpy as jnp
import numpy as np

N = 10000
E = 320000
D = 128
LBL = 8
LAT = 16
NUM_LBL = 32
H = 128


def setup_inputs(seed: int = 0) -> dict:
    key = jax.random.key(seed)
    ks = jax.random.split(key, 13)
    x = jax.random.normal(ks[0], (N, D), dtype=jnp.float32)
    edge_index = jax.random.randint(ks[1], (2, E), 0, N, dtype=jnp.int32)
    y = jax.random.randint(ks[2], (N,), 0, NUM_LBL, dtype=jnp.int32)
    eps = jax.random.normal(ks[3], (N, LAT), dtype=jnp.float32)
    labelEmb = jax.random.normal(ks[4], (NUM_LBL, LBL), dtype=jnp.float32) * 0.1
    din = D + LBL
    W1 = jax.random.normal(ks[5], (din, H), dtype=jnp.float32) / np.sqrt(din)
    b1 = jnp.zeros((H,), dtype=jnp.float32)
    Wmu = jax.random.normal(ks[6], (H, LAT), dtype=jnp.float32) / np.sqrt(H)
    Wls = jax.random.normal(ks[7], (H, LAT), dtype=jnp.float32) / np.sqrt(H)
    dz = LAT + LBL
    Wd1 = jax.random.normal(ks[8], (dz, H), dtype=jnp.float32) / np.sqrt(dz)
    bd1 = jnp.zeros((H,), dtype=jnp.float32)
    Wd2 = jax.random.normal(ks[9], (H, D), dtype=jnp.float32) / np.sqrt(H)
    bd2 = jnp.zeros((D,), dtype=jnp.float32)
    return {"x": x, "edge_index": edge_index, "y": y, "eps": eps,
            "labelEmb": labelEmb, "W1": W1, "b1": b1, "Wmu": Wmu, "Wls": Wls,
            "Wd1": Wd1, "bd1": bd1, "Wd2": Wd2, "bd2": bd2}


def reference(x, edge_index, y, eps, labelEmb, W1, b1, Wmu, Wls, Wd1, bd1, Wd2, bd2):
    # label embedding lookup + concat (VariationalAE.forward)
    ye = jnp.take(labelEmb, y, axis=0)                      # [N, LBL]
    xi = jnp.concatenate([x, ye], axis=1)                   # [N, D+LBL]

    src = edge_index[0]
    dst = edge_index[1]
    deg = jnp.zeros((N,), dtype=jnp.float32).at[dst].add(1.0)
    deg = jnp.clip(deg, 1.0, None)

    def mp(h):
        # mean-aggregation message passing: gather at src, scatter-add at dst
        agg = jax.ops.segment_sum(jnp.take(h, src, axis=0), dst, num_segments=N)
        return agg / deg[:, None]

    # encoder: GCN hidden layer, then mu / logstd heads
    h = jax.nn.relu(mp(xi) @ W1 + b1)                       # [N, H]
    hm = mp(h)                                              # [N, H]
    mu = hm @ Wmu                                           # [N, LAT]
    logstd = hm @ Wls                                       # [N, LAT]
    # clamp(max=MAX_LOGSTD)
    logstd = jnp.minimum(logstd, 10.0)
    # reparameterized latent
    z = mu + eps * jnp.exp(logstd)                          # [N, LAT]
    # concat label embedding back onto z
    zc = jnp.concatenate([z, ye], axis=1)                   # [N, LAT+LBL]
    # decoder MLP
    d = jax.nn.relu(zc @ Wd1 + bd1)
    recon = d @ Wd2 + bd2                                   # [N, D]
    return recon

if __name__ == "__main__":
    import jax
    _d = setup_inputs()
    print(jax.jit(kernel)(*tuple(_d.values())))

</pallas_src>

<mosaic_0001>
#map = affine_map<(d0, d1) -> (0, 0)>
#map1 = affine_map<(d0, d1) -> (0, 0, 0)>
module attributes {stable_mosaic.version = 14 : i64} {
  func.func @body(%arg0: i32, %arg1: i32, %arg2: memref<10000x32xf32, #tpu.memory_space<hbm>>, %arg3: memref<2560x128xi32, #tpu.memory_space<hbm>>, %arg4: memref<2560x128xi32, #tpu.memory_space<hbm>>, %arg5: memref<2x10240x32xf32, #tpu.memory_space<hbm>>, %arg6: memref<80x128xi32, #tpu.memory_space<vmem>>, %arg7: memref<80x128xi32, #tpu.memory_space<vmem>>, %arg8: memref<128x32xf32, #tpu.memory_space<vmem>>, %arg9: memref<10240x32xf32, #tpu.memory_space<vmem_shared>>, %arg10: memref<!tpu.dma_semaphore, #tpu.memory_space<semaphore_mem>>) attributes {dimension_semantics = [#tpu.dimension_semantics<core_parallel>, #tpu.dimension_semantics<subcore_parallel>], iteration_bounds = array<i64: 2, 16>, scalar_prefetch = 0 : i64, scratch_operands = 5 : i64, tpu.core_type = #tpu.core_type<sc_vector_subcore>, window_params = [{transform_indices = #map}, {transform_indices = #map}, {transform_indices = #map}, {transform_indices = #map1}]} {
    %mul3A = arith.constant 2 : i32
    %mul3A_0 = arith.muli %arg1, %mul3A : i32
    %add3A = arith.addi %mul3A_0, %arg0 : i32
    %broadcast_in_dim3A = arith.constant 0.000000e+00 : f32
    %broadcast_in_dim3A_1 = vector.broadcast %broadcast_in_dim3A : f32 to vector<16xf32>
    %scan3A = arith.constant 0 : i32
    %scan3A_2 = arith.constant 0 : i32
    %scan3A_3 = arith.constant 128 : i32
    %scan3A_4 = arith.addi %scan3A_2, %scan3A_3 : i32
    %scan3A_5 = arith.constant 1 : i32
    scf.for %scan3A_28 = %scan3A_2 to %scan3A_4 step %scan3A_5  : i32 {
      %swap3A = arith.index_cast %scan3A_28 : i32 to index
      %swap3A_29 = arith.constant 0 : index
      %swap3A_30 = tpu.vector_load %arg8[%swap3A, %swap3A_29] {strides = array<i32>} : memref<128x32xf32, #tpu.memory_space<vmem>>, vector<1x16xf32>,
      %swap3A_31 = vector.shape_cast %swap3A_30 : vector<1x16xf32> to vector<16xf32>
      %swap3A_32 = vector.shape_cast %broadcast_in_dim3A_1 : vector<16xf32> to vector<1x16xf32>
      tpu.vector_store %arg8[%swap3A, %swap3A_29], %swap3A_32 {strides = array<i32>} : memref<128x32xf32, #tpu.memory_space<vmem>>, vector<1x16xf32>,
      %swap3A_33 = arith.index_cast %scan3A_28 : i32 to index
      %swap3A_34 = arith.constant 16 : index
      %swap3A_35 = tpu.vector_load %arg8[%swap3A_33, %swap3A_34] {strides = array<i32>} : memref<128x32xf32, #tpu.memory_space<vmem>>, vector<1x16xf32>,
      %swap3A_36 = vector.shape_cast %swap3A_35 : vector<1x16xf32> to vector<16xf32>
      %swap3A_37 = vector.shape_cast %broadcast_in_dim3A_1 : vector<16xf32> to vector<1x16xf32>
      tpu.vector_store %arg8[%swap3A_33, %swap3A_34], %swap3A_37 {strides = array<i32>} : memref<128x32xf32, #tpu.memory_space<vmem>>, vector<1x16xf32>,
    }
    %scan3A_6 = arith.constant 128 : i32
    %scan3A_7 = arith.constant 0 : i32
    %scan3A_8 = arith.constant 0 : i32
    %scan3A_9 = arith.constant 5 : i32
    %scan3A_10 = arith.addi %scan3A_8, %scan3A_9 : i32
    %scan3A_11 = arith.constant 1 : i32
    scf.for %scan3A_28 = %scan3A_8 to %scan3A_10 step %scan3A_11  : i32 {
      %mul3A_29 = arith.constant 640 : i32
      %mul3A_30 = arith.muli %arg1, %mul3A_29 : i32
      %mul3A_31 = arith.constant 128 : i32
      %mul3A_32 = arith.muli %scan3A_28, %mul3A_31 : i32
      %add3A_33 = arith.addi %mul3A_30, %mul3A_32 : i32
      "tpu.region"() ({
        %run_scoped3A = tpu.sem_alloc : memref<!tpu.dma_semaphore, #tpu.memory_space<semaphore_mem>>
        %dma_start3A = arith.constant 0 : i32
        %dma_start3A_34 = tpu.memref_slice %arg9[%add3A_33, %dma_start3A] : memref<10240x32xf32, #tpu.memory_space<vmem_shared>> -> memref<128x32xf32, #tpu.memory_space<vmem_shared>>
        %dma_start3A_35 = arith.constant 0 : i32
        %dma_start3A_36 = tpu.memref_slice %arg9[%add3A_33, %dma_start3A_35] : memref<10240x32xf32, #tpu.memory_space<vmem_shared>> -> memref<128x32xf32, #tpu.memory_space<vmem_shared>>
        tpu.enqueue_dma source(%arg8 : memref<128x32xf32, #tpu.memory_space<vmem>>) target(%dma_start3A_36 : memref<128x32xf32, #tpu.memory_space<vmem_shared>>) target_semaphore(%run_scoped3A : memref<!tpu.dma_semaphore, #tpu.memory_space<semaphore_mem>>)
        %dma_wait3A = arith.constant 0 : i32
        %dma_wait3A_37 = tpu.memref_slice %arg9[%add3A_33, %dma_wait3A] : memref<10240x32xf32, #tpu.memory_space<vmem_shared>> -> memref<128x32xf32, #tpu.memory_space<vmem_shared>>
        %dma_wait3A_38 = arith.constant 0 : i32
        %dma_wait3A_39 = tpu.memref_slice %arg9[%add3A_33, %dma_wait3A_38] : memref<10240x32xf32, #tpu.memory_space<vmem_shared>> -> memref<128x32xf32, #tpu.memory_space<vmem_shared>>
        tpu.wait_dma2 semaphore(%run_scoped3A : memref<!tpu.dma_semaphore, #tpu.memory_space<semaphore_mem>>) src(%arg8 : memref<128x32xf32, #tpu.memory_space<vmem>>) dst(%dma_wait3A_39 : memref<128x32xf32, #tpu.memory_space<vmem_shared>>)
        tpu.yield
      }) : () -> ()
    }
    %scan3A_12 = arith.constant 5 : i32
    %barrier3A = arith.constant 0 : index
    tpu.barrier barrier_id(%barrier3A)
    %mul3A_13 = arith.constant 80 : i32
    %mul3A_14 = arith.muli %add3A, %mul3A_13 : i32
    "tpu.region"() ({
      %run_scoped3A = tpu.sem_alloc : memref<!tpu.dma_semaphore, #tpu.memory_space<semaphore_mem>>
      %dma_start3A = arith.constant 0 : i32
      %dma_start3A_28 = tpu.memref_slice %arg3[%mul3A_14, %dma_start3A] : memref<2560x128xi32, #tpu.memory_space<hbm>> -> memref<80x128xi32, #tpu.memory_space<hbm>>
      %dma_start3A_29 = arith.constant 0 : i32
      %dma_start3A_30 = tpu.memref_slice %arg3[%mul3A_14, %dma_start3A_29] : memref<2560x128xi32, #tpu.memory_space<hbm>> -> memref<80x128xi32, #tpu.memory_space<hbm>>
      tpu.enqueue_dma source(%dma_start3A_30 : memref<80x128xi32, #tpu.memory_space<hbm>>) target(%arg6 : memref<80x128xi32, #tpu.memory_space<vmem>>) target_semaphore(%run_scoped3A : memref<!tpu.dma_semaphore, #tpu.memory_space<semaphore_mem>>)
      %dma_wait3A = arith.constant 0 : i32
      %dma_wait3A_31 = tpu.memref_slice %arg3[%mul3A_14, %dma_wait3A] : memref<2560x128xi32, #tpu.memory_space<hbm>> -> memref<80x128xi32, #tpu.memory_space<hbm>>
      %dma_wait3A_32 = arith.constant 0 : i32
      %dma_wait3A_33 = tpu.memref_slice %arg3[%mul3A_14, %dma_wait3A_32] : memref<2560x128xi32, #tpu.memory_space<hbm>> -> memref<80x128xi32, #tpu.memory_space<hbm>>
      tpu.wait_dma2 semaphore(%run_scoped3A : memref<!tpu.dma_semaphore, #tpu.memory_space<semaphore_mem>>) src(%dma_wait3A_33 : memref<80x128xi32, #tpu.memory_space<hbm>>) dst(%arg6 : memref<80x128xi32, #tpu.memory_space<vmem>>)
      tpu.yield
    }) : () -> ()
    "tpu.region"() ({
      %run_scoped3A = tpu.sem_alloc : memref<!tpu.dma_semaphore, #tpu.memory_space<semaphore_mem>>
      %dma_start3A = arith.constant 0 : i32
      %dma_start3A_28 = tpu.memref_slice %arg4[%mul3A_14, %dma_start3A] : memref<2560x128xi32, #tpu.memory_space<hbm>> -> memref<80x128xi32, #tpu.memory_space<hbm>>
      %dma_start3A_29 = arith.constant 0 : i32
      %dma_start3A_30 = tpu.memref_slice %arg4[%mul3A_14, %dma_start3A_29] : memref<2560x128xi32, #tpu.memory_space<hbm>> -> memref<80x128xi32, #tpu.memory_space<hbm>>
      tpu.enqueue_dma source(%dma_start3A_30 : memref<80x128xi32, #tpu.memory_space<hbm>>) target(%arg7 : memref<80x128xi32, #tpu.memory_space<vmem>>) target_semaphore(%run_scoped3A : memref<!tpu.dma_semaphore, #tpu.memory_space<semaphore_mem>>)
      %dma_wait3A = arith.constant 0 : i32
      %dma_wait3A_31 = tpu.memref_slice %arg4[%mul3A_14, %dma_wait3A] : memref<2560x128xi32, #tpu.memory_space<hbm>> -> memref<80x128xi32, #tpu.memory_space<hbm>>
      %dma_wait3A_32 = arith.constant 0 : i32
      %dma_wait3A_33 = tpu.memref_slice %arg4[%mul3A_14, %dma_wait3A_32] : memref<2560x128xi32, #tpu.memory_space<hbm>> -> memref<80x128xi32, #tpu.memory_space<hbm>>
      tpu.wait_dma2 semaphore(%run_scoped3A : memref<!tpu.dma_semaphore, #tpu.memory_space<semaphore_mem>>) src(%dma_wait3A_33 : memref<80x128xi32, #tpu.memory_space<hbm>>) dst(%arg7 : memref<80x128xi32, #tpu.memory_space<vmem>>)
      tpu.yield
    }) : () -> ()
    %scan3A_15 = arith.constant 0 : i32
    %scan3A_16 = arith.constant 0 : i32
    %scan3A_17 = arith.constant 80 : i32
    %scan3A_18 = arith.addi %scan3A_16, %scan3A_17 : i32
    %scan3A_19 = arith.constant 1 : i32
    scf.for %scan3A_28 = %scan3A_16 to %scan3A_18 step %scan3A_19  : i32 {
      %dma_start3A = arith.constant 0 : i32
      %dma_start3A_29 = tpu.memref_slice %arg6[%scan3A_28, %dma_start3A] : memref<80x128xi32, #tpu.memory_space<vmem>> -> memref<1x128xi32, #tpu.memory_space<vmem>>
      %dma_start3A_30 = tpu.memref_squeeze %dma_start3A_29 : memref<1x128xi32, #tpu.memory_space<vmem>> -> memref<128xi32, #tpu.memory_space<vmem>>
      %dma_start3A_31 = arith.constant 0 : i32
      %dma_start3A_32 = arith.constant 0 : i32
      %dma_start3A_33 = tpu.memref_slice %arg2[%dma_start3A_31, %dma_start3A_32] : memref<10000x32xf32, #tpu.memory_space<hbm>> -> memref<10000x32xf32, #tpu.memory_space<hbm>>
      tpu.enqueue_indirect_dma source(%dma_start3A_33 : memref<10000x32xf32, #tpu.memory_space<hbm>>) target(%arg8 : memref<128x32xf32, #tpu.memory_space<vmem>>) offsets(%dma_start3A_30 : memref<128xi32, #tpu.memory_space<vmem>>) semaphore(%arg10 : memref<!tpu.dma_semaphore, #tpu.memory_space<semaphore_mem>>)
      %dma_wait3A = arith.constant 0 : i32
      %dma_wait3A_34 = tpu.memref_slice %arg6[%scan3A_28, %dma_wait3A] : memref<80x128xi32, #tpu.memory_space<vmem>> -> memref<1x128xi32, #tpu.memory_space<vmem>>
      %dma_wait3A_35 = tpu.memref_squeeze %dma_wait3A_34 : memref<1x128xi32, #tpu.memory_space<vmem>> -> memref<128xi32, #tpu.memory_space<vmem>>
      %dma_wait3A_36 = arith.constant 0 : i32
      %dma_wait3A_37 = arith.constant 0 : i32
      %dma_wait3A_38 = tpu.memref_slice %arg2[%dma_wait3A_36, %dma_wait3A_37] : memref<10000x32xf32, #tpu.memory_space<hbm>> -> memref<10000x32xf32, #tpu.memory_space<hbm>>
      tpu.wait_indirect_dma semaphore(%arg10 : memref<!tpu.dma_semaphore, #tpu.memory_space<semaphore_mem>>) src(%dma_wait3A_38 : memref<10000x32xf32, #tpu.memory_space<hbm>>) dst(%arg8 : memref<128x32xf32, #tpu.memory_space<vmem>>)
      "tpu.region"() ({
        %run_scoped3A = tpu.sem_alloc : memref<!tpu.dma_semaphore, #tpu.memory_space<semaphore_mem>>
        %dma_start3A_39 = arith.constant 0 : i32
        %dma_start3A_40 = tpu.memref_slice %arg7[%scan3A_28, %dma_start3A_39] : memref<80x128xi32, #tpu.memory_space<vmem>> -> memref<1x128xi32, #tpu.memory_space<vmem>>
        %dma_start3A_41 = tpu.memref_squeeze %dma_start3A_40 : memref<1x128xi32, #tpu.memory_space<vmem>> -> memref<128xi32, #tpu.memory_space<vmem>>
        %dma_start3A_42 = arith.constant 0 : i32
        %dma_start3A_43 = arith.constant 0 : i32
        %dma_start3A_44 = tpu.memref_slice %arg9[%dma_start3A_42, %dma_start3A_43] : memref<10240x32xf32, #tpu.memory_space<vmem_shared>> -> memref<10240x32xf32, #tpu.memory_space<vmem_shared>>
        tpu.enqueue_indirect_dma source(%arg8 : memref<128x32xf32, #tpu.memory_space<vmem>>) target(%dma_start3A_44 : memref<10240x32xf32, #tpu.memory_space<vmem_shared>>) offsets(%dma_start3A_41 : memref<128xi32, #tpu.memory_space<vmem>>) semaphore(%run_scoped3A : memref<!tpu.dma_semaphore, #tpu.memory_space<semaphore_mem>>) {add = true}
        %dma_wait3A_45 = arith.constant 0 : i32
        %dma_wait3A_46 = tpu.memref_slice %arg7[%scan3A_28, %dma_wait3A_45] : memref<80x128xi32, #tpu.memory_space<vmem>> -> memref<1x128xi32, #tpu.memory_space<vmem>>
        %dma_wait3A_47 = tpu.memref_squeeze %dma_wait3A_46 : memref<1x128xi32, #tpu.memory_space<vmem>> -> memref<128xi32, #tpu.memory_space<vmem>>
        %dma_wait3A_48 = arith.constant 0 : i32
        %dma_wait3A_49 = arith.constant 0 : i32
        %dma_wait3A_50 = tpu.memref_slice %arg9[%dma_wait3A_48, %dma_wait3A_49] : memref<10240x32xf32, #tpu.memory_space<vmem_shared>> -> memref<10240x32xf32, #tpu.memory_space<vmem_shared>>
        tpu.wait_indirect_dma semaphore(%run_scoped3A : memref<!tpu.dma_semaphore, #tpu.memory_space<semaphore_mem>>) src(%arg8 : memref<128x32xf32, #tpu.memory_space<vmem>>) dst(%dma_wait3A_50 : memref<10240x32xf32, #tpu.memory_space<vmem_shared>>)
        tpu.yield
      }) : () -> ()
    }
    %scan3A_20 = arith.constant 80 : i32
    %barrier3A_21 = arith.constant 0 : index
    tpu.barrier barrier_id(%barrier3A_21)
    %scan3A_22 = arith.constant 0 : i32
    %scan3A_23 = arith.constant 0 : i32
    %scan3A_24 = arith.constant 5 : i32
    %scan3A_25 = arith.addi %scan3A_23, %scan3A_24 : i32
    %scan3A_26 = arith.constant 1 : i32
    scf.for %scan3A_28 = %scan3A_23 to %scan3A_25 step %scan3A_26  : i32 {
      %mul3A_29 = arith.constant 640 : i32
      %mul3A_30 = arith.muli %arg1, %mul3A_29 : i32
      %mul3A_31 = arith.constant 128 : i32
      %mul3A_32 = arith.muli %scan3A_28, %mul3A_31 : i32
      %add3A_33 = arith.addi %mul3A_30, %mul3A_32 : i32
      "tpu.region"() ({
        %run_scoped3A = tpu.sem_alloc : memref<!tpu.dma_semaphore, #tpu.memory_space<semaphore_mem>>
        %dma_start3A = arith.constant 0 : i32
        %dma_start3A_34 = tpu.memref_slice %arg9[%add3A_33, %dma_start3A] : memref<10240x32xf32, #tpu.memory_space<vmem_shared>> -> memref<128x32xf32, #tpu.memory_space<vmem_shared>>
        %dma_start3A_35 = arith.constant 0 : i32
        %dma_start3A_36 = tpu.memref_slice %arg9[%add3A_33, %dma_start3A_35] : memref<10240x32xf32, #tpu.memory_space<vmem_shared>> -> memref<128x32xf32, #tpu.memory_space<vmem_shared>>
        tpu.enqueue_dma source(%dma_start3A_36 : memref<128x32xf32, #tpu.memory_space<vmem_shared>>) target(%arg8 : memref<128x32xf32, #tpu.memory_space<vmem>>) target_semaphore(%run_scoped3A : memref<!tpu.dma_semaphore, #tpu.memory_space<semaphore_mem>>)
        %dma_wait3A = arith.constant 0 : i32
        %dma_wait3A_37 = tpu.memref_slice %arg9[%add3A_33, %dma_wait3A] : memref<10240x32xf32, #tpu.memory_space<vmem_shared>> -> memref<128x32xf32, #tpu.memory_space<vmem_shared>>
        %dma_wait3A_38 = arith.constant 0 : i32
        %dma_wait3A_39 = tpu.memref_slice %arg9[%add3A_33, %dma_wait3A_38] : memref<10240x32xf32, #tpu.memory_space<vmem_shared>> -> memref<128x32xf32, #tpu.memory_space<vmem_shared>>
        tpu.wait_dma2 semaphore(%run_scoped3A : memref<!tpu.dma_semaphore, #tpu.memory_space<semaphore_mem>>) src(%dma_wait3A_39 : memref<128x32xf32, #tpu.memory_space<vmem_shared>>) dst(%arg8 : memref<128x32xf32, #tpu.memory_space<vmem>>)
        tpu.yield
      }) : () -> ()
      "tpu.region"() ({
        %run_scoped3A = tpu.sem_alloc : memref<!tpu.dma_semaphore, #tpu.memory_space<semaphore_mem>>
        %dma_start3A = arith.constant 0 : i32
        %dma_start3A_34 = arith.constant 0 : i32
        %dma_start3A_35 = tpu.memref_slice %arg5[%arg0, %dma_start3A, %dma_start3A_34] : memref<2x10240x32xf32, #tpu.memory_space<hbm>> -> memref<1x10240x32xf32, #tpu.memory_space<hbm>>
        %dma_start3A_36 = tpu.memref_squeeze %dma_start3A_35 : memref<1x10240x32xf32, #tpu.memory_space<hbm>> -> memref<10240x32xf32, #tpu.memory_space<hbm>>
        %dma_start3A_37 = arith.constant 0 : i32
        %dma_start3A_38 = tpu.memref_slice %dma_start3A_36[%add3A_33, %dma_start3A_37] : memref<10240x32xf32, #tpu.memory_space<hbm>> -> memref<128x32xf32, #tpu.memory_space<hbm>>
        %dma_start3A_39 = arith.constant 0 : i32
        %dma_start3A_40 = arith.constant 0 : i32
        %dma_start3A_41 = tpu.memref_slice %arg5[%arg0, %dma_start3A_39, %dma_start3A_40] : memref<2x10240x32xf32, #tpu.memory_space<hbm>> -> memref<1x10240x32xf32, #tpu.memory_space<hbm>>
        %dma_start3A_42 = tpu.memref_squeeze %dma_start3A_41 : memref<1x10240x32xf32, #tpu.memory_space<hbm>> -> memref<10240x32xf32, #tpu.memory_space<hbm>>
        %dma_start3A_43 = arith.constant 0 : i32
        %dma_start3A_44 = tpu.memref_slice %dma_start3A_42[%add3A_33, %dma_start3A_43] : memref<10240x32xf32, #tpu.memory_space<hbm>> -> memref<128x32xf32, #tpu.memory_space<hbm>>
        tpu.enqueue_dma source(%arg8 : memref<128x32xf32, #tpu.memory_space<vmem>>) target(%dma_start3A_44 : memref<128x32xf32, #tpu.memory_space<hbm>>) target_semaphore(%run_scoped3A : memref<!tpu.dma_semaphore, #tpu.memory_space<semaphore_mem>>)
        %dma_wait3A = arith.constant 0 : i32
        %dma_wait3A_45 = arith.constant 0 : i32
        %dma_wait3A_46 = tpu.memref_slice %arg5[%arg0, %dma_wait3A, %dma_wait3A_45] : memref<2x10240x32xf32, #tpu.memory_space<hbm>> -> memref<1x10240x32xf32, #tpu.memory_space<hbm>>
        %dma_wait3A_47 = tpu.memref_squeeze %dma_wait3A_46 : memref<1x10240x32xf32, #tpu.memory_space<hbm>> -> memref<10240x32xf32, #tpu.memory_space<hbm>>
        %dma_wait3A_48 = arith.constant 0 : i32
        %dma_wait3A_49 = tpu.memref_slice %dma_wait3A_47[%add3A_33, %dma_wait3A_48] : memref<10240x32xf32, #tpu.memory_space<hbm>> -> memref<128x32xf32, #tpu.memory_space<hbm>>
        %dma_wait3A_50 = arith.constant 0 : i32
        %dma_wait3A_51 = arith.constant 0 : i32
        %dma_wait3A_52 = tpu.memref_slice %arg5[%arg0, %dma_wait3A_50, %dma_wait3A_51] : memref<2x10240x32xf32, #tpu.memory_space<hbm>> -> memref<1x10240x32xf32, #tpu.memory_space<hbm>>
        %dma_wait3A_53 = tpu.memref_squeeze %dma_wait3A_52 : memref<1x10240x32xf32, #tpu.memory_space<hbm>> -> memref<10240x32xf32, #tpu.memory_space<hbm>>
        %dma_wait3A_54 = arith.constant 0 : i32
        %dma_wait3A_55 = tpu.memref_slice %dma_wait3A_53[%add3A_33, %dma_wait3A_54] : memref<10240x32xf32, #tpu.memory_space<hbm>> -> memref<128x32xf32, #tpu.memory_space<hbm>>
        tpu.wait_dma2 semaphore(%run_scoped3A : memref<!tpu.dma_semaphore, #tpu.memory_space<semaphore_mem>>) src(%arg8 : memref<128x32xf32, #tpu.memory_space<vmem>>) dst(%dma_wait3A_55 : memref<128x32xf32, #tpu.memory_space<hbm>>)
        tpu.yield
      }) : () -> ()
    }
    %scan3A_27 = arith.constant 5 : i32
    return
  }
}

#map = affine_map<(d0, d1) -> (0, 0)>
#map1 = affine_map<(d0, d1) -> (0, 0, 0)>
module attributes {stable_mosaic.version = 14 : i64} {
  func.func @body(%arg0: i32, %arg1: i32, %arg2: memref<10000x144xf32, #tpu.memory_space<hbm>>, %arg3: memref<2560x128xi32, #tpu.memory_space<hbm>>, %arg4: memref<2560x128xi32, #tpu.memory_space<hbm>>, %arg5: memref<2x10240x144xf32, #tpu.memory_space<hbm>>, %arg6: memref<80x128xi32, #tpu.memory_space<vmem>>, %arg7: memref<80x128xi32, #tpu.memory_space<vmem>>, %arg8: memref<128x144xf32, #tpu.memory_space<vmem>>, %arg9: memref<10240x144xf32, #tpu.memory_space<vmem_shared>>, %arg10: memref<!tpu.dma_semaphore, #tpu.memory_space<semaphore_mem>>) attributes {dimension_semantics = [#tpu.dimension_semantics<core_parallel>, #tpu.dimension_semantics<subcore_parallel>], iteration_bounds = array<i64: 2, 16>, scalar_prefetch = 0 : i64, scratch_operands = 5 : i64, tpu.core_type = #tpu.core_type<sc_vector_subcore>, window_params = [{transform_indices = #map}, {transform_indices = #map}, {transform_indices = #map}, {transform_indices = #map1}]} {
    %mul3A = arith.constant 2 : i32
    %mul3A_0 = arith.muli %arg1, %mul3A : i32
    %add3A = arith.addi %mul3A_0, %arg0 : i32
    %broadcast_in_dim3A = arith.constant 0.000000e+00 : f32
    %broadcast_in_dim3A_1 = vector.broadcast %broadcast_in_dim3A : f32 to vector<16xf32>
    %scan3A = arith.constant 0 : i32
    %scan3A_2 = arith.constant 0 : i32
    %scan3A_3 = arith.constant 128 : i32
    %scan3A_4 = arith.addi %scan3A_2, %scan3A_3 : i32
    %scan3A_5 = arith.constant 1 : i32
    scf.for %scan3A_28 = %scan3A_2 to %scan3A_4 step %scan3A_5  : i32 {
      %swap3A = arith.index_cast %scan3A_28 : i32 to index
      %swap3A_29 = arith.constant 0 : index
      %swap3A_30 = tpu.vector_load %arg8[%swap3A, %swap3A_29] {strides = array<i32>} : memref<128x144xf32, #tpu.memory_space<vmem>>, vector<1x16xf32>,
      %swap3A_31 = vector.shape_cast %swap3A_30 : vector<1x16xf32> to vector<16xf32>
      %swap3A_32 = vector.shape_cast %broadcast_in_dim3A_1 : vector<16xf32> to vector<1x16xf32>
      tpu.vector_store %arg8[%swap3A, %swap3A_29], %swap3A_32 {strides = array<i32>} : memref<128x144xf32, #tpu.memory_space<vmem>>, vector<1x16xf32>,
      %swap3A_33 = arith.index_cast %scan3A_28 : i32 to index
      %swap3A_34 = arith.constant 16 : index
      %swap3A_35 = tpu.vector_load %arg8[%swap3A_33, %swap3A_34] {strides = array<i32>} : memref<128x144xf32, #tpu.memory_space<vmem>>, vector<1x16xf32>,
      %swap3A_36 = vector.shape_cast %swap3A_35 : vector<1x16xf32> to vector<16xf32>
      %swap3A_37 = vector.shape_cast %broadcast_in_dim3A_1 : vector<16xf32> to vector<1x16xf32>
      tpu.vector_store %arg8[%swap3A_33, %swap3A_34], %swap3A_37 {strides = array<i32>} : memref<128x144xf32, #tpu.memory_space<vmem>>, vector<1x16xf32>,
      %swap3A_38 = arith.index_cast %scan3A_28 : i32 to index
      %swap3A_39 = arith.constant 32 : index
      %swap3A_40 = tpu.vector_load %arg8[%swap3A_38, %swap3A_39] {strides = array<i32>} : memref<128x144xf32, #tpu.memory_space<vmem>>, vector<1x16xf32>,
      %swap3A_41 = vector.shape_cast %swap3A_40 : vector<1x16xf32> to vector<16xf32>
      %swap3A_42 = vector.shape_cast %broadcast_in_dim3A_1 : vector<16xf32> to vector<1x16xf32>
      tpu.vector_store %arg8[%swap3A_38, %swap3A_39], %swap3A_42 {strides = array<i32>} : memref<128x144xf32, #tpu.memory_space<vmem>>, vector<1x16xf32>,
      %swap3A_43 = arith.index_cast %scan3A_28 : i32 to index
      %swap3A_44 = arith.constant 48 : index
      %swap3A_45 = tpu.vector_load %arg8[%swap3A_43, %swap3A_44] {strides = array<i32>} : memref<128x144xf32, #tpu.memory_space<vmem>>, vector<1x16xf32>,
      %swap3A_46 = vector.shape_cast %swap3A_45 : vector<1x16xf32> to vector<16xf32>
      %swap3A_47 = vector.shape_cast %broadcast_in_dim3A_1 : vector<16xf32> to vector<1x16xf32>
      tpu.vector_store %arg8[%swap3A_43, %swap3A_44], %swap3A_47 {strides = array<i32>} : memref<128x144xf32, #tpu.memory_space<vmem>>, vector<1x16xf32>,
      %swap3A_48 = arith.index_cast %scan3A_28 : i32 to index
      %swap3A_49 = arith.constant 64 : index
      %swap3A_50 = tpu.vector_load %arg8[%swap3A_48, %swap3A_49] {strides = array<i32>} : memref<128x144xf32, #tpu.memory_space<vmem>>, vector<1x16xf32>,
      %swap3A_51 = vector.shape_cast %swap3A_50 : vector<1x16xf32> to vector<16xf32>
      %swap3A_52 = vector.shape_cast %broadcast_in_dim3A_1 : vector<16xf32> to vector<1x16xf32>
      tpu.vector_store %arg8[%swap3A_48, %swap3A_49], %swap3A_52 {strides = array<i32>} : memref<128x144xf32, #tpu.memory_space<vmem>>, vector<1x16xf32>,
      %swap3A_53 = arith.index_cast %scan3A_28 : i32 to index
      %swap3A_54 = arith.constant 80 : index
      %swap3A_55 = tpu.vector_load %arg8[%swap3A_53, %swap3A_54] {strides = array<i32>} : memref<128x144xf32, #tpu.memory_space<vmem>>, vector<1x16xf32>,
      %swap3A_56 = vector.shape_cast %swap3A_55 : vector<1x16xf32> to vector<16xf32>
      %swap3A_57 = vector.shape_cast %broadcast_in_dim3A_1 : vector<16xf32> to vector<1x16xf32>
      tpu.vector_store %arg8[%swap3A_53, %swap3A_54], %swap3A_57 {strides = array<i32>} : memref<128x144xf32, #tpu.memory_space<vmem>>, vector<1x16xf32>,
      %swap3A_58 = arith.index_cast %scan3A_28 : i32 to index
      %swap3A_59 = arith.constant 96 : index
      %swap3A_60 = tpu.vector_load %arg8[%swap3A_58, %swap3A_59] {strides = array<i32>} : memref<128x144xf32, #tpu.memory_space<vmem>>, vector<1x16xf32>,
      %swap3A_61 = vector.shape_cast %swap3A_60 : vector<1x16xf32> to vector<16xf32>
      %swap3A_62 = vector.shape_cast %broadcast_in_dim3A_1 : vector<16xf32> to vector<1x16xf32>
      tpu.vector_store %arg8[%swap3A_58, %swap3A_59], %swap3A_62 {strides = array<i32>} : memref<128x144xf32, #tpu.memory_space<vmem>>, vector<1x16xf32>,
      %swap3A_63 = arith.index_cast %scan3A_28 : i32 to index
      %swap3A_64 = arith.constant 112 : index
      %swap3A_65 = tpu.vector_load %arg8[%swap3A_63, %swap3A_64] {strides = array<i32>} : memref<128x144xf32, #tpu.memory_space<vmem>>, vector<1x16xf32>,
      %swap3A_66 = vector.shape_cast %swap3A_65 : vector<1x16xf32> to vector<16xf32>
      %swap3A_67 = vector.shape_cast %broadcast_in_dim3A_1 : vector<16xf32> to vector<1x16xf32>
      tpu.vector_store %arg8[%swap3A_63, %swap3A_64], %swap3A_67 {strides = array<i32>} : memref<128x144xf32, #tpu.memory_space<vmem>>, vector<1x16xf32>,
      %swap3A_68 = arith.index_cast %scan3A_28 : i32 to index
      %swap3A_69 = arith.constant 128 : index
      %swap3A_70 = tpu.vector_load %arg8[%swap3A_68, %swap3A_69] {strides = array<i32>} : memref<128x144xf32, #tpu.memory_space<vmem>>, vector<1x16xf32>,
      %swap3A_71 = vector.shape_cast %swap3A_70 : vector<1x16xf32> to vector<16xf32>
      %swap3A_72 = vector.shape_cast %broadcast_in_dim3A_1 : vector<16xf32> to vector<1x16xf32>
      tpu.vector_store %arg8[%swap3A_68, %swap3A_69], %swap3A_72 {strides = array<i32>} : memref<128x144xf32, #tpu.memory_space<vmem>>, vector<1x16xf32>,
    }
    %scan3A_6 = arith.constant 128 : i32
    %scan3A_7 = arith.constant 0 : i32
    %scan3A_8 = arith.constant 0 : i32
    %scan3A_9 = arith.constant 5 : i32
    %scan3A_10 = arith.addi %scan3A_8, %scan3A_9 : i32
    %scan3A_11 = arith.constant 1 : i32
    scf.for %scan3A_28 = %scan3A_8 to %scan3A_10 step %scan3A_11  : i32 {
      %mul3A_29 = arith.constant 640 : i32
      %mul3A_30 = arith.muli %arg1, %mul3A_29 : i32
      %mul3A_31 = arith.constant 128 : i32
      %mul3A_32 = arith.muli %scan3A_28, %mul3A_31 : i32
      %add3A_33 = arith.addi %mul3A_30, %mul3A_32 : i32
      "tpu.region"() ({
        %run_scoped3A = tpu.sem_alloc : memref<!tpu.dma_semaphore, #tpu.memory_space<semaphore_mem>>
        %dma_start3A = arith.constant 0 : i32
        %dma_start3A_34 = tpu.memref_slice %arg9[%add3A_33, %dma_start3A] : memref<10240x144xf32, #tpu.memory_space<vmem_shared>> -> memref<128x144xf32, #tpu.memory_space<vmem_shared>>
        %dma_start3A_35 = arith.constant 0 : i32
        %dma_start3A_36 = tpu.memref_slice %arg9[%add3A_33, %dma_start3A_35] : memref<10240x144xf32, #tpu.memory_space<vmem_shared>> -> memref<128x144xf32, #tpu.memory_space<vmem_shared>>
        tpu.enqueue_dma source(%arg8 : memref<128x144xf32, #tpu.memory_space<vmem>>) target(%dma_start3A_36 : memref<128x144xf32, #tpu.memory_space<vmem_shared>>) target_semaphore(%run_scoped3A : memref<!tpu.dma_semaphore, #tpu.memory_space<semaphore_mem>>)
        %dma_wait3A = arith.constant 0 : i32
        %dma_wait3A_37 = tpu.memref_slice %arg9[%add3A_33, %dma_wait3A] : memref<10240x144xf32, #tpu.memory_space<vmem_shared>> -> memref<128x144xf32, #tpu.memory_space<vmem_shared>>
        %dma_wait3A_38 = arith.constant 0 : i32
        %dma_wait3A_39 = tpu.memref_slice %arg9[%add3A_33, %dma_wait3A_38] : memref<10240x144xf32, #tpu.memory_space<vmem_shared>> -> memref<128x144xf32, #tpu.memory_space<vmem_shared>>
        tpu.wait_dma2 semaphore(%run_scoped3A : memref<!tpu.dma_semaphore, #tpu.memory_space<semaphore_mem>>) src(%arg8 : memref<128x144xf32, #tpu.memory_space<vmem>>) dst(%dma_wait3A_39 : memref<128x144xf32, #tpu.memory_space<vmem_shared>>)
        tpu.yield
      }) : () -> ()
    }
    %scan3A_12 = arith.constant 5 : i32
    %barrier3A = arith.constant 0 : index
    tpu.barrier barrier_id(%barrier3A)
    %mul3A_13 = arith.constant 80 : i32
    %mul3A_14 = arith.muli %add3A, %mul3A_13 : i32
    "tpu.region"() ({
      %run_scoped3A = tpu.sem_alloc : memref<!tpu.dma_semaphore, #tpu.memory_space<semaphore_mem>>
      %dma_start3A = arith.constant 0 : i32
      %dma_start3A_28 = tpu.memref_slice %arg3[%mul3A_14, %dma_start3A] : memref<2560x128xi32, #tpu.memory_space<hbm>> -> memref<80x128xi32, #tpu.memory_space<hbm>>
      %dma_start3A_29 = arith.constant 0 : i32
      %dma_start3A_30 = tpu.memref_slice %arg3[%mul3A_14, %dma_start3A_29] : memref<2560x128xi32, #tpu.memory_space<hbm>> -> memref<80x128xi32, #tpu.memory_space<hbm>>
      tpu.enqueue_dma source(%dma_start3A_30 : memref<80x128xi32, #tpu.memory_space<hbm>>) target(%arg6 : memref<80x128xi32, #tpu.memory_space<vmem>>) target_semaphore(%run_scoped3A : memref<!tpu.dma_semaphore, #tpu.memory_space<semaphore_mem>>)
      %dma_wait3A = arith.constant 0 : i32
      %dma_wait3A_31 = tpu.memref_slice %arg3[%mul3A_14, %dma_wait3A] : memref<2560x128xi32, #tpu.memory_space<hbm>> -> memref<80x128xi32, #tpu.memory_space<hbm>>
      %dma_wait3A_32 = arith.constant 0 : i32
      %dma_wait3A_33 = tpu.memref_slice %arg3[%mul3A_14, %dma_wait3A_32] : memref<2560x128xi32, #tpu.memory_space<hbm>> -> memref<80x128xi32, #tpu.memory_space<hbm>>
      tpu.wait_dma2 semaphore(%run_scoped3A : memref<!tpu.dma_semaphore, #tpu.memory_space<semaphore_mem>>) src(%dma_wait3A_33 : memref<80x128xi32, #tpu.memory_space<hbm>>) dst(%arg6 : memref<80x128xi32, #tpu.memory_space<vmem>>)
      tpu.yield
    }) : () -> ()
    "tpu.region"() ({
      %run_scoped3A = tpu.sem_alloc : memref<!tpu.dma_semaphore, #tpu.memory_space<semaphore_mem>>
      %dma_start3A = arith.constant 0 : i32
      %dma_start3A_28 = tpu.memref_slice %arg4[%mul3A_14, %dma_start3A] : memref<2560x128xi32, #tpu.memory_space<hbm>> -> memref<80x128xi32, #tpu.memory_space<hbm>>
      %dma_start3A_29 = arith.constant 0 : i32
      %dma_start3A_30 = tpu.memref_slice %arg4[%mul3A_14, %dma_start3A_29] : memref<2560x128xi32, #tpu.memory_space<hbm>> -> memref<80x128xi32, #tpu.memory_space<hbm>>
      tpu.enqueue_dma source(%dma_start3A_30 : memref<80x128xi32, #tpu.memory_space<hbm>>) target(%arg7 : memref<80x128xi32, #tpu.memory_space<vmem>>) target_semaphore(%run_scoped3A : memref<!tpu.dma_semaphore, #tpu.memory_space<semaphore_mem>>)
      %dma_wait3A = arith.constant 0 : i32
      %dma_wait3A_31 = tpu.memref_slice %arg4[%mul3A_14, %dma_wait3A] : memref<2560x128xi32, #tpu.memory_space<hbm>> -> memref<80x128xi32, #tpu.memory_space<hbm>>
      %dma_wait3A_32 = arith.constant 0 : i32
      %dma_wait3A_33 = tpu.memref_slice %arg4[%mul3A_14, %dma_wait3A_32] : memref<2560x128xi32, #tpu.memory_space<hbm>> -> memref<80x128xi32, #tpu.memory_space<hbm>>
      tpu.wait_dma2 semaphore(%run_scoped3A : memref<!tpu.dma_semaphore, #tpu.memory_space<semaphore_mem>>) src(%dma_wait3A_33 : memref<80x128xi32, #tpu.memory_space<hbm>>) dst(%arg7 : memref<80x128xi32, #tpu.memory_space<vmem>>)
      tpu.yield
    }) : () -> ()
    %scan3A_15 = arith.constant 0 : i32
    %scan3A_16 = arith.constant 0 : i32
    %scan3A_17 = arith.constant 80 : i32
    %scan3A_18 = arith.addi %scan3A_16, %scan3A_17 : i32
    %scan3A_19 = arith.constant 1 : i32
    scf.for %scan3A_28 = %scan3A_16 to %scan3A_18 step %scan3A_19  : i32 {
      %dma_start3A = arith.constant 0 : i32
      %dma_start3A_29 = tpu.memref_slice %arg6[%scan3A_28, %dma_start3A] : memref<80x128xi32, #tpu.memory_space<vmem>> -> memref<1x128xi32, #tpu.memory_space<vmem>>
      %dma_start3A_30 = tpu.memref_squeeze %dma_start3A_29 : memref<1x128xi32, #tpu.memory_space<vmem>> -> memref<128xi32, #tpu.memory_space<vmem>>
      %dma_start3A_31 = arith.constant 0 : i32
      %dma_start3A_32 = arith.constant 0 : i32
      %dma_start3A_33 = tpu.memref_slice %arg2[%dma_start3A_31, %dma_start3A_32] : memref<10000x144xf32, #tpu.memory_space<hbm>> -> memref<10000x144xf32, #tpu.memory_space<hbm>>
      tpu.enqueue_indirect_dma source(%dma_start3A_33 : memref<10000x144xf32, #tpu.memory_space<hbm>>) target(%arg8 : memref<128x144xf32, #tpu.memory_space<vmem>>) offsets(%dma_start3A_30 : memref<128xi32, #tpu.memory_space<vmem>>) semaphore(%arg10 : memref<!tpu.dma_semaphore, #tpu.memory_space<semaphore_mem>>)
      %dma_wait3A = arith.constant 0 : i32
      %dma_wait3A_34 = tpu.memref_slice %arg6[%scan3A_28, %dma_wait3A] : memref<80x128xi32, #tpu.memory_space<vmem>> -> memref<1x128xi32, #tpu.memory_space<vmem>>
      %dma_wait3A_35 = tpu.memref_squeeze %dma_wait3A_34 : memref<1x128xi32, #tpu.memory_space<vmem>> -> memref<128xi32, #tpu.memory_space<vmem>>
      %dma_wait3A_36 = arith.constant 0 : i32
      %dma_wait3A_37 = arith.constant 0 : i32
      %dma_wait3A_38 = tpu.memref_slice %arg2[%dma_wait3A_36, %dma_wait3A_37] : memref<10000x144xf32, #tpu.memory_space<hbm>> -> memref<10000x144xf32, #tpu.memory_space<hbm>>
      tpu.wait_indirect_dma semaphore(%arg10 : memref<!tpu.dma_semaphore, #tpu.memory_space<semaphore_mem>>) src(%dma_wait3A_38 : memref<10000x144xf32, #tpu.memory_space<hbm>>) dst(%arg8 : memref<128x144xf32, #tpu.memory_space<vmem>>)
      "tpu.region"() ({
        %run_scoped3A = tpu.sem_alloc : memref<!tpu.dma_semaphore, #tpu.memory_space<semaphore_mem>>
        %dma_start3A_39 = arith.constant 0 : i32
        %dma_start3A_40 = tpu.memref_slice %arg7[%scan3A_28, %dma_start3A_39] : memref<80x128xi32, #tpu.memory_space<vmem>> -> memref<1x128xi32, #tpu.memory_space<vmem>>
        %dma_start3A_41 = tpu.memref_squeeze %dma_start3A_40 : memref<1x128xi32, #tpu.memory_space<vmem>> -> memref<128xi32, #tpu.memory_space<vmem>>
        %dma_start3A_42 = arith.constant 0 : i32
        %dma_start3A_43 = arith.constant 0 : i32
        %dma_start3A_44 = tpu.memref_slice %arg9[%dma_start3A_42, %dma_start3A_43] : memref<10240x144xf32, #tpu.memory_space<vmem_shared>> -> memref<10240x144xf32, #tpu.memory_space<vmem_shared>>
        tpu.enqueue_indirect_dma source(%arg8 : memref<128x144xf32, #tpu.memory_space<vmem>>) target(%dma_start3A_44 : memref<10240x144xf32, #tpu.memory_space<vmem_shared>>) offsets(%dma_start3A_41 : memref<128xi32, #tpu.memory_space<vmem>>) semaphore(%run_scoped3A : memref<!tpu.dma_semaphore, #tpu.memory_space<semaphore_mem>>) {add = true}
        %dma_wait3A_45 = arith.constant 0 : i32
        %dma_wait3A_46 = tpu.memref_slice %arg7[%scan3A_28, %dma_wait3A_45] : memref<80x128xi32, #tpu.memory_space<vmem>> -> memref<1x128xi32, #tpu.memory_space<vmem>>
        %dma_wait3A_47 = tpu.memref_squeeze %dma_wait3A_46 : memref<1x128xi32, #tpu.memory_space<vmem>> -> memref<128xi32, #tpu.memory_space<vmem>>
        %dma_wait3A_48 = arith.constant 0 : i32
        %dma_wait3A_49 = arith.constant 0 : i32
        %dma_wait3A_50 = tpu.memref_slice %arg9[%dma_wait3A_48, %dma_wait3A_49] : memref<10240x144xf32, #tpu.memory_space<vmem_shared>> -> memref<10240x144xf32, #tpu.memory_space<vmem_shared>>
        tpu.wait_indirect_dma semaphore(%run_scoped3A : memref<!tpu.dma_semaphore, #tpu.memory_space<semaphore_mem>>) src(%arg8 : memref<128x144xf32, #tpu.memory_space<vmem>>) dst(%dma_wait3A_50 : memref<10240x144xf32, #tpu.memory_space<vmem_shared>>)
        tpu.yield
      }) : () -> ()
    }
    %scan3A_20 = arith.constant 80 : i32
    %barrier3A_21 = arith.constant 0 : index
    tpu.barrier barrier_id(%barrier3A_21)
    %scan3A_22 = arith.constant 0 : i32
    %scan3A_23 = arith.constant 0 : i32
    %scan3A_24 = arith.constant 5 : i32
    %scan3A_25 = arith.addi %scan3A_23, %scan3A_24 : i32
    %scan3A_26 = arith.constant 1 : i32
    scf.for %scan3A_28 = %scan3A_23 to %scan3A_25 step %scan3A_26  : i32 {
      %mul3A_29 = arith.constant 640 : i32
      %mul3A_30 = arith.muli %arg1, %mul3A_29 : i32
      %mul3A_31 = arith.constant 128 : i32
      %mul3A_32 = arith.muli %scan3A_28, %mul3A_31 : i32
      %add3A_33 = arith.addi %mul3A_30, %mul3A_32 : i32
      "tpu.region"() ({
        %run_scoped3A = tpu.sem_alloc : memref<!tpu.dma_semaphore, #tpu.memory_space<semaphore_mem>>
        %dma_start3A = arith.constant 0 : i32
        %dma_start3A_34 = tpu.memref_slice %arg9[%add3A_33, %dma_start3A] : memref<10240x144xf32, #tpu.memory_space<vmem_shared>> -> memref<128x144xf32, #tpu.memory_space<vmem_shared>>
        %dma_start3A_35 = arith.constant 0 : i32
        %dma_start3A_36 = tpu.memref_slice %arg9[%add3A_33, %dma_start3A_35] : memref<10240x144xf32, #tpu.memory_space<vmem_shared>> -> memref<128x144xf32, #tpu.memory_space<vmem_shared>>
        tpu.enqueue_dma source(%dma_start3A_36 : memref<128x144xf32, #tpu.memory_space<vmem_shared>>) target(%arg8 : memref<128x144xf32, #tpu.memory_space<vmem>>) target_semaphore(%run_scoped3A : memref<!tpu.dma_semaphore, #tpu.memory_space<semaphore_mem>>)
        %dma_wait3A = arith.constant 0 : i32
        %dma_wait3A_37 = tpu.memref_slice %arg9[%add3A_33, %dma_wait3A] : memref<10240x144xf32, #tpu.memory_space<vmem_shared>> -> memref<128x144xf32, #tpu.memory_space<vmem_shared>>
        %dma_wait3A_38 = arith.constant 0 : i32
        %dma_wait3A_39 = tpu.memref_slice %arg9[%add3A_33, %dma_wait3A_38] : memref<10240x144xf32, #tpu.memory_space<vmem_shared>> -> memref<128x144xf32, #tpu.memory_space<vmem_shared>>
        tpu.wait_dma2 semaphore(%run_scoped3A : memref<!tpu.dma_semaphore, #tpu.memory_space<semaphore_mem>>) src(%dma_wait3A_39 : memref<128x144xf32, #tpu.memory_space<vmem_shared>>) dst(%arg8 : memref<128x144xf32, #tpu.memory_space<vmem>>)
        tpu.yield
      }) : () -> ()
      "tpu.region"() ({
        %run_scoped3A = tpu.sem_alloc : memref<!tpu.dma_semaphore, #tpu.memory_space<semaphore_mem>>
        %dma_start3A = arith.constant 0 : i32
        %dma_start3A_34 = arith.constant 0 : i32
        %dma_start3A_35 = tpu.memref_slice %arg5[%arg0, %dma_start3A, %dma_start3A_34] : memref<2x10240x144xf32, #tpu.memory_space<hbm>> -> memref<1x10240x144xf32, #tpu.memory_space<hbm>>
        %dma_start3A_36 = tpu.memref_squeeze %dma_start3A_35 : memref<1x10240x144xf32, #tpu.memory_space<hbm>> -> memref<10240x144xf32, #tpu.memory_space<hbm>>
        %dma_start3A_37 = arith.constant 0 : i32
        %dma_start3A_38 = tpu.memref_slice %dma_start3A_36[%add3A_33, %dma_start3A_37] : memref<10240x144xf32, #tpu.memory_space<hbm>> -> memref<128x144xf32, #tpu.memory_space<hbm>>
        %dma_start3A_39 = arith.constant 0 : i32
        %dma_start3A_40 = arith.constant 0 : i32
        %dma_start3A_41 = tpu.memref_slice %arg5[%arg0, %dma_start3A_39, %dma_start3A_40] : memref<2x10240x144xf32, #tpu.memory_space<hbm>> -> memref<1x10240x144xf32, #tpu.memory_space<hbm>>
        %dma_start3A_42 = tpu.memref_squeeze %dma_start3A_41 : memref<1x10240x144xf32, #tpu.memory_space<hbm>> -> memref<10240x144xf32, #tpu.memory_space<hbm>>
        %dma_start3A_43 = arith.constant 0 : i32
        %dma_start3A_44 = tpu.memref_slice %dma_start3A_42[%add3A_33, %dma_start3A_43] : memref<10240x144xf32, #tpu.memory_space<hbm>> -> memref<128x144xf32, #tpu.memory_space<hbm>>
        tpu.enqueue_dma source(%arg8 : memref<128x144xf32, #tpu.memory_space<vmem>>) target(%dma_start3A_44 : memref<128x144xf32, #tpu.memory_space<hbm>>) target_semaphore(%run_scoped3A : memref<!tpu.dma_semaphore, #tpu.memory_space<semaphore_mem>>)
        %dma_wait3A = arith.constant 0 : i32
        %dma_wait3A_45 = arith.constant 0 : i32
        %dma_wait3A_46 = tpu.memref_slice %arg5[%arg0, %dma_wait3A, %dma_wait3A_45] : memref<2x10240x144xf32, #tpu.memory_space<hbm>> -> memref<1x10240x144xf32, #tpu.memory_space<hbm>>
        %dma_wait3A_47 = tpu.memref_squeeze %dma_wait3A_46 : memref<1x10240x144xf32, #tpu.memory_space<hbm>> -> memref<10240x144xf32, #tpu.memory_space<hbm>>
        %dma_wait3A_48 = arith.constant 0 : i32
        %dma_wait3A_49 = tpu.memref_slice %dma_wait3A_47[%add3A_33, %dma_wait3A_48] : memref<10240x144xf32, #tpu.memory_space<hbm>> -> memref<128x144xf32, #tpu.memory_space<hbm>>
        %dma_wait3A_50 = arith.constant 0 : i32
        %dma_wait3A_51 = arith.constant 0 : i32
        %dma_wait3A_52 = tpu.memref_slice %arg5[%arg0, %dma_wait3A_50, %dma_wait3A_51] : memref<2x10240x144xf32, #tpu.memory_space<hbm>> -> memref<1x10240x144xf32, #tpu.memory_space<hbm>>
        %dma_wait3A_53 = tpu.memref_squeeze %dma_wait3A_52 : memref<1x10240x144xf32, #tpu.memory_space<hbm>> -> memref<10240x144xf32, #tpu.memory_space<hbm>>
        %dma_wait3A_54 = arith.constant 0 : i32
        %dma_wait3A_55 = tpu.memref_slice %dma_wait3A_53[%add3A_33, %dma_wait3A_54] : memref<10240x144xf32, #tpu.memory_space<hbm>> -> memref<128x144xf32, #tpu.memory_space<hbm>>
        tpu.wait_dma2 semaphore(%run_scoped3A : memref<!tpu.dma_semaphore, #tpu.memory_space<semaphore_mem>>) src(%arg8 : memref<128x144xf32, #tpu.memory_space<vmem>>) dst(%dma_wait3A_55 : memref<128x144xf32, #tpu.memory_space<hbm>>)
        tpu.yield
      }) : () -> ()
    }
    %scan3A_27 = arith.constant 5 : i32
    return
  }
}

module attributes {stable_mosaic.version = 14 : i64} {
  func.func @_enc_body(%arg0: i32, %arg1: memref<1000x128xf32, #tpu.memory_space<vmem>>, %arg2: memref<1x1x1000xi32, #tpu.memory_space<vmem>>, %arg3: memref<32x8xf32, #tpu.memory_space<vmem>>, %arg4: memref<136x128xf32, #tpu.memory_space<vmem>>, %arg5: memref<1000x144xf32, #tpu.memory_space<vmem>>) attributes {dimension_semantics = [#tpu.dimension_semantics<arbitrary>], iteration_bounds = array<i64: 10>, scalar_prefetch = 0 : i64, scratch_operands = 0 : i64, tpu.core_type = #tpu.core_type<tc>, window_params = [{transform_indices = @transform_0, window_bounds = array<i64: 1000, 128>}, {transform_indices = @transform_1, window_bounds = array<i64: 1, 1, 1000>}, {pipeline_mode = #tpu.pipeline_mode<synchronous>, transform_indices = @transform_2, window_bounds = array<i64: 32, 8>}, {pipeline_mode = #tpu.pipeline_mode<synchronous>, transform_indices = @transform_3, window_bounds = array<i64: 136, 128>}, {transform_indices = @transform_4, window_bounds = array<i64: 1000, 144>}]} {
    %get3A = arith.constant 0 : index
    %get3A_0 = arith.constant 0 : index
    %get3A_1 = arith.constant 0 : index
    %get3A_2 = vector.load %arg2[%get3A, %get3A_0, %get3A_1] : memref<1x1x1000xi32, #tpu.memory_space<vmem>>, vector<1x1x1000xi32>
    %get3A_3 = vector.shape_cast %get3A_2 : vector<1x1x1000xi32> to vector<1000xi32>
    %broadcast_in_dim3A = vector.shape_cast %get3A_3 : vector<1000xi32> to vector<1000x1xi32>
    %iota3A = tpu.iota {dimensions = array<i32: 1>} : vector<1000x32xi32>
    %eq3A = vector.broadcast %broadcast_in_dim3A : vector<1000x1xi32> to vector<1000x32xi32>
    %eq3A_4 = arith.cmpi eq, %eq3A, %iota3A : vector<1000x32xi32>
    %convert_element_type3A = arith.extui %eq3A_4 : vector<1000x32xi1> to vector<1000x32xi32>
    %convert_element_type3A_5 = arith.sitofp %convert_element_type3A : vector<1000x32xi32> to vector<1000x32xf32>
    %get3A_6 = arith.constant 0 : index
    %get3A_7 = arith.constant 0 : index
    %get3A_8 = vector.load %arg3[%get3A_6, %get3A_7] : memref<32x8xf32, #tpu.memory_space<vmem>>, vector<32x8xf32>
    %get3A_9 = arith.constant 128 : index
    %get3A_10 = arith.constant 0 : index
    %get3A_11 = vector.load %arg4[%get3A_9, %get3A_10] : memref<136x128xf32, #tpu.memory_space<vmem>>, vector<8x128xf32>
    %dot_general3A = arith.constant dense<0.000000e+00> : vector<32x128xf32>
    %dot_general3A_12 = tpu.matmul %get3A_8, %get3A_11, %dot_general3A {dimension_numbers = #tpu.dot_dimension_numbers<[1], [0], [0], [1], [0, 0, 1, 1], [], []>, transpose_lhs_hint = false} : vector<32x8xf32>, vector<8x128xf32>, vector<32x128xf32> -> vector<32x128xf32>
    %get3A_13 = arith.constant 0 : index
    %get3A_14 = arith.constant 0 : index
    %get3A_15 = vector.load %arg1[%get3A_13, %get3A_14] : memref<1000x128xf32, #tpu.memory_space<vmem>>, vector<1000x128xf32>
    %get3A_16 = arith.constant 0 : index
    %get3A_17 = arith.constant 0 : index
    %get3A_18 = vector.load %arg4[%get3A_16, %get3A_17] : memref<136x128xf32, #tpu.memory_space<vmem>>, vector<128x128xf32>
    %dot_general3A_19 = arith.constant dense<0.000000e+00> : vector<1000x128xf32>
    %dot_general3A_20 = tpu.matmul %get3A_15, %get3A_18, %dot_general3A_19 {dimension_numbers = #tpu.dot_dimension_numbers<[1], [0], [0], [1], [0, 0, 1, 1], [], []>, transpose_lhs_hint = false} : vector<1000x128xf32>, vector<128x128xf32>, vector<1000x128xf32> -> vector<1000x128xf32>
    %dot_general3A_21 = arith.constant dense<0.000000e+00> : vector<1000x128xf32>
    %dot_general3A_22 = tpu.matmul %convert_element_type3A_5, %dot_general3A_12, %dot_general3A_21 {dimension_numbers = #tpu.dot_dimension_numbers<[1], [0], [0], [1], [0, 0, 1, 1], [], []>, transpose_lhs_hint = false} : vector<1000x32xf32>, vector<32x128xf32>, vector<1000x128xf32> -> vector<1000x128xf32>
    %add3A = arith.addf %dot_general3A_20, %dot_general3A_22 : vector<1000x128xf32>
    %swap3A = arith.constant 0 : index
    %swap3A_23 = arith.constant 0 : index
    %swap3A_24 = vector.load %arg5[%swap3A, %swap3A_23] : memref<1000x144xf32, #tpu.memory_space<vmem>>, vector<1000x128xf32>
    tpu.vector_store %arg5[%swap3A, %swap3A_23], %add3A {strides = array<i32>} : memref<1000x144xf32, #tpu.memory_space<vmem>>, vector<1000x128xf32>,
    %broadcast_in_dim3A_25 = arith.constant 1.000000e+00 : f32
    %broadcast_in_dim3A_26 = vector.broadcast %broadcast_in_dim3A_25 : f32 to vector<1000x16xf32>
    %swap3A_27 = arith.constant 0 : index
    %swap3A_28 = arith.constant 128 : index
    %swap3A_29 = vector.load %arg5[%swap3A_27, %swap3A_28] : memref<1000x144xf32, #tpu.memory_space<vmem>>, vector<1000x16xf32>
    tpu.vector_store %arg5[%swap3A_27, %swap3A_28], %broadcast_in_dim3A_26 {strides = array<i32>} : memref<1000x144xf32, #tpu.memory_space<vmem>>, vector<1000x16xf32>,
    return
  }
  func.func @transform_0(%arg0: i32) -> (i32, i32) {
    %c0_i32 = arith.constant 0 : i32
    %c0_i32_0 = arith.constant 0 : i32
    return %arg0, %c0_i32 : i32, i32
  }
  func.func @transform_1(%arg0: i32) -> (i32, i32, i32) {
    %c0_i32 = arith.constant 0 : i32
    %c0_i32_0 = arith.constant 0 : i32
    %c0_i32_1 = arith.constant 0 : i32
    return %arg0, %c0_i32, %c0_i32_0 : i32, i32, i32
  }
  func.func @transform_2(%arg0: i32) -> (i32, i32) {
    %c0_i32 = arith.constant 0 : i32
    %c0_i32_0 = arith.constant 0 : i32
    %c0_i32_1 = arith.constant 0 : i32
    return %c0_i32, %c0_i32_0 : i32, i32
  }
  func.func @transform_3(%arg0: i32) -> (i32, i32) {
    %c0_i32 = arith.constant 0 : i32
    %c0_i32_0 = arith.constant 0 : i32
    %c0_i32_1 = arith.constant 0 : i32
    return %c0_i32, %c0_i32_0 : i32, i32
  }
  func.func @transform_4(%arg0: i32) -> (i32, i32) {
    %c0_i32 = arith.constant 0 : i32
    %c0_i32_0 = arith.constant 0 : i32
    return %arg0, %c0_i32 : i32, i32
  }
}

module attributes {stable_mosaic.version = 14 : i64} {
  func.func @_mid_body(%arg0: i32, %arg1: memref<2x1000x144xf32, #tpu.memory_space<vmem>>, %arg2: memref<1x128xf32, #tpu.memory_space<vmem>>, %arg3: memref<128x32xf32, #tpu.memory_space<vmem>>, %arg4: memref<1000x32xf32, #tpu.memory_space<vmem>>) attributes {dimension_semantics = [#tpu.dimension_semantics<arbitrary>], iteration_bounds = array<i64: 10>, scalar_prefetch = 0 : i64, scratch_operands = 0 : i64, tpu.core_type = #tpu.core_type<tc>, window_params = [{transform_indices = @transform_0, window_bounds = array<i64: 2, 1000, 144>}, {pipeline_mode = #tpu.pipeline_mode<synchronous>, transform_indices = @transform_1, window_bounds = array<i64: 1, 128>}, {pipeline_mode = #tpu.pipeline_mode<synchronous>, transform_indices = @transform_2, window_bounds = array<i64: 128, 32>}, {transform_indices = @transform_3, window_bounds = array<i64: 1000, 32>}]} {
    %get3A = arith.constant 0 : index
    %get3A_0 = arith.constant 0 : index
    %get3A_1 = arith.constant 0 : index
    %get3A_2 = vector.load %arg1[%get3A, %get3A_0, %get3A_1] : memref<2x1000x144xf32, #tpu.memory_space<vmem>>, vector<1x1000x144xf32>
    %get3A_3 = vector.shape_cast %get3A_2 : vector<1x1000x144xf32> to vector<1000x144xf32>
    %get3A_4 = arith.constant 1 : index
    %get3A_5 = arith.constant 0 : index
    %get3A_6 = arith.constant 0 : index
    %get3A_7 = vector.load %arg1[%get3A_4, %get3A_5, %get3A_6] : memref<2x1000x144xf32, #tpu.memory_space<vmem>>, vector<1x1000x144xf32>
    %get3A_8 = vector.shape_cast %get3A_7 : vector<1x1000x144xf32> to vector<1000x144xf32>
    %add3A = arith.addf %get3A_3, %get3A_8 : vector<1000x144xf32>
    %slice3A = vector.extract_strided_slice %add3A {offsets = [0, 128], sizes = [1000, 1], strides = [1, 1]} : vector<1000x144xf32> to vector<1000x1xf32>
    %jit3A = arith.constant 1.000000e+00 : f32
    %max3A = vector.broadcast %jit3A : f32 to vector<1000x1xf32>
    %max3A_9 = arith.maximumf %max3A, %slice3A : vector<1000x1xf32>
    %slice3A_10 = vector.extract_strided_slice %add3A {offsets = [0, 0], sizes = [1000, 128], strides = [1, 1]} : vector<1000x144xf32> to vector<1000x128xf32>
    %div3A = vector.broadcast %max3A_9 : vector<1000x1xf32> to vector<1000x128xf32>
    %div3A_11 = arith.divf %slice3A_10, %div3A : vector<1000x128xf32>
    %get3A_12 = arith.constant 0 : index
    %get3A_13 = arith.constant 0 : index
    %get3A_14 = vector.load %arg2[%get3A_12, %get3A_13] : memref<1x128xf32, #tpu.memory_space<vmem>>, vector<1x128xf32>
    %get3A_15 = vector.shape_cast %get3A_14 : vector<1x128xf32> to vector<128xf32>
    %broadcast_in_dim3A = vector.shape_cast %get3A_15 : vector<128xf32> to vector<1x128xf32>
    %add3A_16 = vector.broadcast %broadcast_in_dim3A : vector<1x128xf32> to vector<1000x128xf32>
    %add3A_17 = arith.addf %div3A_11, %add3A_16 : vector<1000x128xf32>
    %max3A_18 = arith.constant 0.000000e+00 : f32
    %max3A_19 = vector.broadcast %max3A_18 : f32 to vector<1000x128xf32>
    %max3A_20 = arith.maximumf %add3A_17, %max3A_19 : vector<1000x128xf32>
    %get3A_21 = arith.constant 0 : index
    %get3A_22 = arith.constant 0 : index
    %get3A_23 = vector.load %arg3[%get3A_21, %get3A_22] : memref<128x32xf32, #tpu.memory_space<vmem>>, vector<128x32xf32>
    %dot_general3A = arith.constant dense<0.000000e+00> : vector<1000x32xf32>
    %dot_general3A_24 = tpu.matmul %max3A_20, %get3A_23, %dot_general3A {dimension_numbers = #tpu.dot_dimension_numbers<[1], [0], [0], [1], [0, 0, 1, 1], [], []>, transpose_lhs_hint = false} : vector<1000x128xf32>, vector<128x32xf32>, vector<1000x32xf32> -> vector<1000x32xf32>
    %swap3A = arith.constant 0 : index
    %swap3A_25 = arith.constant 0 : index
    %swap3A_26 = vector.load %arg4[%swap3A, %swap3A_25] : memref<1000x32xf32, #tpu.memory_space<vmem>>, vector<1000x32xf32>
    tpu.vector_store %arg4[%swap3A, %swap3A_25], %dot_general3A_24 {strides = array<i32>} : memref<1000x32xf32, #tpu.memory_space<vmem>>, vector<1000x32xf32>,
    return
  }
  func.func @transform_0(%arg0: i32) -> (i32, i32, i32) {
    %c0_i32 = arith.constant 0 : i32
    %c0_i32_0 = arith.constant 0 : i32
    %c0_i32_1 = arith.constant 0 : i32
    return %c0_i32, %arg0, %c0_i32_0 : i32, i32, i32
  }
  func.func @transform_1(%arg0: i32) -> (i32, i32) {
    %c0_i32 = arith.constant 0 : i32
    %c0_i32_0 = arith.constant 0 : i32
    %c0_i32_1 = arith.constant 0 : i32
    return %c0_i32, %c0_i32_0 : i32, i32
  }
  func.func @transform_2(%arg0: i32) -> (i32, i32) {
    %c0_i32 = arith.constant 0 : i32
    %c0_i32_0 = arith.constant 0 : i32
    %c0_i32_1 = arith.constant 0 : i32
    return %c0_i32, %c0_i32_0 : i32, i32
  }
  func.func @transform_3(%arg0: i32) -> (i32, i32) {
    %c0_i32 = arith.constant 0 : i32
    %c0_i32_0 = arith.constant 0 : i32
    return %arg0, %c0_i32 : i32, i32
  }
}

module attributes {stable_mosaic.version = 14 : i64} {
  func.func @_dec_body(%arg0: i32, %arg1: memref<2x1000x32xf32, #tpu.memory_space<vmem>>, %arg2: memref<2x1000x144xf32, #tpu.memory_space<vmem>>, %arg3: memref<1000x16xf32, #tpu.memory_space<vmem>>, %arg4: memref<1x1x1000xi32, #tpu.memory_space<vmem>>, %arg5: memref<32x8xf32, #tpu.memory_space<vmem>>, %arg6: memref<24x128xf32, #tpu.memory_space<vmem>>, %arg7: memref<1x128xf32, #tpu.memory_space<vmem>>, %arg8: memref<128x128xf32, #tpu.memory_space<vmem>>, %arg9: memref<1x128xf32, #tpu.memory_space<vmem>>, %arg10: memref<1000x128xf32, #tpu.memory_space<vmem>>) attributes {dimension_semantics = [#tpu.dimension_semantics<arbitrary>], iteration_bounds = array<i64: 10>, scalar_prefetch = 0 : i64, scratch_operands = 0 : i64, tpu.core_type = #tpu.core_type<tc>, window_params = [{transform_indices = @transform_0, window_bounds = array<i64: 2, 1000, 32>}, {transform_indices = @transform_1, window_bounds = array<i64: 2, 1000, 144>}, {transform_indices = @transform_2, window_bounds = array<i64: 1000, 16>}, {transform_indices = @transform_3, window_bounds = array<i64: 1, 1, 1000>}, {pipeline_mode = #tpu.pipeline_mode<synchronous>, transform_indices = @transform_4, window_bounds = array<i64: 32, 8>}, {pipeline_mode = #tpu.pipeline_mode<synchronous>, transform_indices = @transform_5, window_bounds = array<i64: 24, 128>}, {pipeline_mode = #tpu.pipeline_mode<synchronous>, transform_indices = @transform_6, window_bounds = array<i64: 1, 128>}, {pipeline_mode = #tpu.pipeline_mode<synchronous>, transform_indices = @transform_7, window_bounds = array<i64: 128, 128>}, {pipeline_mode = #tpu.pipeline_mode<synchronous>, transform_indices = @transform_8, window_bounds = array<i64: 1, 128>}, {transform_indices = @transform_9, window_bounds = array<i64: 1000, 128>}]} {
    %get3A = arith.constant 0 : index
    %get3A_0 = arith.constant 0 : index
    %get3A_1 = arith.constant 0 : index
    %get3A_2 = vector.load %arg1[%get3A, %get3A_0, %get3A_1] : memref<2x1000x32xf32, #tpu.memory_space<vmem>>, vector<1x1000x32xf32>
    %get3A_3 = vector.shape_cast %get3A_2 : vector<1x1000x32xf32> to vector<1000x32xf32>
    %get3A_4 = arith.constant 1 : index
    %get3A_5 = arith.constant 0 : index
    %get3A_6 = arith.constant 0 : index
    %get3A_7 = vector.load %arg1[%get3A_4, %get3A_5, %get3A_6] : memref<2x1000x32xf32, #tpu.memory_space<vmem>>, vector<1x1000x32xf32>
    %get3A_8 = vector.shape_cast %get3A_7 : vector<1x1000x32xf32> to vector<1000x32xf32>
    %add3A = arith.addf %get3A_3, %get3A_8 : vector<1000x32xf32>
    %get3A_9 = arith.constant 0 : index
    %get3A_10 = arith.constant 0 : index
    %get3A_11 = arith.constant 0 : index
    %get3A_12 = vector.load %arg2[%get3A_9, %get3A_10, %get3A_11] : memref<2x1000x144xf32, #tpu.memory_space<vmem>>, vector<1x1000x144xf32>
    %get3A_13 = vector.shape_cast %get3A_12 : vector<1x1000x144xf32> to vector<1000x144xf32>
    %slice3A = vector.extract_strided_slice %get3A_13 {offsets = [0, 128], sizes = [1000, 1], strides = [1, 1]} : vector<1000x144xf32> to vector<1000x1xf32>
    %get3A_14 = arith.constant 1 : index
    %get3A_15 = arith.constant 0 : index
    %get3A_16 = arith.constant 0 : index
    %get3A_17 = vector.load %arg2[%get3A_14, %get3A_15, %get3A_16] : memref<2x1000x144xf32, #tpu.memory_space<vmem>>, vector<1x1000x144xf32>
    %get3A_18 = vector.shape_cast %get3A_17 : vector<1x1000x144xf32> to vector<1000x144xf32>
    %slice3A_19 = vector.extract_strided_slice %get3A_18 {offsets = [0, 128], sizes = [1000, 1], strides = [1, 1]} : vector<1000x144xf32> to vector<1000x1xf32>
    %add3A_20 = arith.addf %slice3A, %slice3A_19 : vector<1000x1xf32>
    %jit3A = arith.constant 1.000000e+00 : f32
    %max3A = vector.broadcast %jit3A : f32 to vector<1000x1xf32>
    %max3A_21 = arith.maximumf %max3A, %add3A_20 : vector<1000x1xf32>
    %div3A = vector.broadcast %max3A_21 : vector<1000x1xf32> to vector<1000x32xf32>
    %div3A_22 = arith.divf %add3A, %div3A : vector<1000x32xf32>
    %slice3A_23 = vector.extract_strided_slice %div3A_22 {offsets = [0, 0], sizes = [1000, 16], strides = [1, 1]} : vector<1000x32xf32> to vector<1000x16xf32>
    %slice3A_24 = vector.extract_strided_slice %div3A_22 {offsets = [0, 16], sizes = [1000, 16], strides = [1, 1]} : vector<1000x32xf32> to vector<1000x16xf32>
    %min3A = arith.constant 1.000000e+01 : f32
    %min3A_25 = vector.broadcast %min3A : f32 to vector<1000x16xf32>
    %min3A_26 = arith.minimumf %slice3A_24, %min3A_25 : vector<1000x16xf32>
    %get3A_27 = arith.constant 0 : index
    %get3A_28 = arith.constant 0 : index
    %get3A_29 = vector.load %arg3[%get3A_27, %get3A_28] : memref<1000x16xf32, #tpu.memory_space<vmem>>, vector<1000x16xf32>
    %exp3A = math.exp %min3A_26 : vector<1000x16xf32>
    %mul3A = arith.mulf %get3A_29, %exp3A : vector<1000x16xf32>
    %add3A_30 = arith.addf %slice3A_23, %mul3A : vector<1000x16xf32>
    %get3A_31 = arith.constant 0 : index
    %get3A_32 = arith.constant 0 : index
    %get3A_33 = arith.constant 0 : index
    %get3A_34 = vector.load %arg4[%get3A_31, %get3A_32, %get3A_33] : memref<1x1x1000xi32, #tpu.memory_space<vmem>>, vector<1x1x1000xi32>
    %get3A_35 = vector.shape_cast %get3A_34 : vector<1x1x1000xi32> to vector<1000xi32>
    %broadcast_in_dim3A = vector.shape_cast %get3A_35 : vector<1000xi32> to vector<1000x1xi32>
    %iota3A = tpu.iota {dimensions = array<i32: 1>} : vector<1000x32xi32>
    %eq3A = vector.broadcast %broadcast_in_dim3A : vector<1000x1xi32> to vector<1000x32xi32>
    %eq3A_36 = arith.cmpi eq, %eq3A, %iota3A : vector<1000x32xi32>
    %convert_element_type3A = arith.extui %eq3A_36 : vector<1000x32xi1> to vector<1000x32xi32>
    %convert_element_type3A_37 = arith.sitofp %convert_element_type3A : vector<1000x32xi32> to vector<1000x32xf32>
    %get3A_38 = arith.constant 0 : index
    %get3A_39 = arith.constant 0 : index
    %get3A_40 = vector.load %arg5[%get3A_38, %get3A_39] : memref<32x8xf32, #tpu.memory_space<vmem>>, vector<32x8xf32>
    %get3A_41 = arith.constant 16 : index
    %get3A_42 = arith.constant 0 : index
    %get3A_43 = vector.load %arg6[%get3A_41, %get3A_42] : memref<24x128xf32, #tpu.memory_space<vmem>>, vector<8x128xf32>
    %dot_general3A = arith.constant dense<0.000000e+00> : vector<32x128xf32>
    %dot_general3A_44 = tpu.matmul %get3A_40, %get3A_43, %dot_general3A {dimension_numbers = #tpu.dot_dimension_numbers<[1], [0], [0], [1], [0, 0, 1, 1], [], []>, transpose_lhs_hint = false} : vector<32x8xf32>, vector<8x128xf32>, vector<32x128xf32> -> vector<32x128xf32>
    %get3A_45 = arith.constant 0 : index
    %get3A_46 = arith.constant 0 : index
    %get3A_47 = vector.load %arg6[%get3A_45, %get3A_46] : memref<24x128xf32, #tpu.memory_space<vmem>>, vector<16x128xf32>
    %dot_general3A_48 = arith.constant dense<0.000000e+00> : vector<1000x128xf32>
    %dot_general3A_49 = tpu.matmul %add3A_30, %get3A_47, %dot_general3A_48 {dimension_numbers = #tpu.dot_dimension_numbers<[1], [0], [0], [1], [0, 0, 1, 1], [], []>, transpose_lhs_hint = false} : vector<1000x16xf32>, vector<16x128xf32>, vector<1000x128xf32> -> vector<1000x128xf32>
    %dot_general3A_50 = arith.constant dense<0.000000e+00> : vector<1000x128xf32>
    %dot_general3A_51 = tpu.matmul %convert_element_type3A_37, %dot_general3A_44, %dot_general3A_50 {dimension_numbers = #tpu.dot_dimension_numbers<[1], [0], [0], [1], [0, 0, 1, 1], [], []>, transpose_lhs_hint = false} : vector<1000x32xf32>, vector<32x128xf32>, vector<1000x128xf32> -> vector<1000x128xf32>
    %add3A_52 = arith.addf %dot_general3A_49, %dot_general3A_51 : vector<1000x128xf32>
    %get3A_53 = arith.constant 0 : index
    %get3A_54 = arith.constant 0 : index
    %get3A_55 = vector.load %arg7[%get3A_53, %get3A_54] : memref<1x128xf32, #tpu.memory_space<vmem>>, vector<1x128xf32>
    %get3A_56 = vector.shape_cast %get3A_55 : vector<1x128xf32> to vector<128xf32>
    %broadcast_in_dim3A_57 = vector.shape_cast %get3A_56 : vector<128xf32> to vector<1x128xf32>
    %add3A_58 = vector.broadcast %broadcast_in_dim3A_57 : vector<1x128xf32> to vector<1000x128xf32>
    %add3A_59 = arith.addf %add3A_52, %add3A_58 : vector<1000x128xf32>
    %max3A_60 = arith.constant 0.000000e+00 : f32
    %max3A_61 = vector.broadcast %max3A_60 : f32 to vector<1000x128xf32>
    %max3A_62 = arith.maximumf %add3A_59, %max3A_61 : vector<1000x128xf32>
    %get3A_63 = arith.constant 0 : index
    %get3A_64 = arith.constant 0 : index
    %get3A_65 = vector.load %arg8[%get3A_63, %get3A_64] : memref<128x128xf32, #tpu.memory_space<vmem>>, vector<128x128xf32>
    %dot_general3A_66 = arith.constant dense<0.000000e+00> : vector<1000x128xf32>
    %dot_general3A_67 = tpu.matmul %max3A_62, %get3A_65, %dot_general3A_66 {dimension_numbers = #tpu.dot_dimension_numbers<[1], [0], [0], [1], [0, 0, 1, 1], [], []>, transpose_lhs_hint = false} : vector<1000x128xf32>, vector<128x128xf32>, vector<1000x128xf32> -> vector<1000x128xf32>
    %get3A_68 = arith.constant 0 : index
    %get3A_69 = arith.constant 0 : index
    %get3A_70 = vector.load %arg9[%get3A_68, %get3A_69] : memref<1x128xf32, #tpu.memory_space<vmem>>, vector<1x128xf32>
    %get3A_71 = vector.shape_cast %get3A_70 : vector<1x128xf32> to vector<128xf32>
    %broadcast_in_dim3A_72 = vector.shape_cast %get3A_71 : vector<128xf32> to vector<1x128xf32>
    %add3A_73 = vector.broadcast %broadcast_in_dim3A_72 : vector<1x128xf32> to vector<1000x128xf32>
    %add3A_74 = arith.addf %dot_general3A_67, %add3A_73 : vector<1000x128xf32>
    %swap3A = arith.constant 0 : index
    %swap3A_75 = arith.constant 0 : index
    %swap3A_76 = vector.load %arg10[%swap3A, %swap3A_75] : memref<1000x128xf32, #tpu.memory_space<vmem>>, vector<1000x128xf32>
    tpu.vector_store %arg10[%swap3A, %swap3A_75], %add3A_74 {strides = array<i32>} : memref<1000x128xf32, #tpu.memory_space<vmem>>, vector<1000x128xf32>,
    return
  }
  func.func @transform_0(%arg0: i32) -> (i32, i32, i32) {
    %c0_i32 = arith.constant 0 : i32
    %c0_i32_0 = arith.constant 0 : i32
    %c0_i32_1 = arith.constant 0 : i32
    return %c0_i32, %arg0, %c0_i32_0 : i32, i32, i32
  }
  func.func @transform_1(%arg0: i32) -> (i32, i32, i32) {
    %c0_i32 = arith.constant 0 : i32
    %c0_i32_0 = arith.constant 0 : i32
    %c0_i32_1 = arith.constant 0 : i32
    return %c0_i32, %arg0, %c0_i32_0 : i32, i32, i32
  }
  func.func @transform_2(%arg0: i32) -> (i32, i32) {
    %c0_i32 = arith.constant 0 : i32
    %c0_i32_0 = arith.constant 0 : i32
    return %arg0, %c0_i32 : i32, i32
  }
  func.func @transform_3(%arg0: i32) -> (i32, i32, i32) {
    %c0_i32 = arith.constant 0 : i32
    %c0_i32_0 = arith.constant 0 : i32
    %c0_i32_1 = arith.constant 0 : i32
    return %arg0, %c0_i32, %c0_i32_0 : i32, i32, i32
  }
  func.func @transform_4(%arg0: i32) -> (i32, i32) {
    %c0_i32 = arith.constant 0 : i32
    %c0_i32_0 = arith.constant 0 : i32
    %c0_i32_1 = arith.constant 0 : i32
    return %c0_i32, %c0_i32_0 : i32, i32
  }
  func.func @transform_5(%arg0: i32) -> (i32, i32) {
    %c0_i32 = arith.constant 0 : i32
    %c0_i32_0 = arith.constant 0 : i32
    %c0_i32_1 = arith.constant 0 : i32
    return %c0_i32, %c0_i32_0 : i32, i32
  }
  func.func @transform_6(%arg0: i32) -> (i32, i32) {
    %c0_i32 = arith.constant 0 : i32
    %c0_i32_0 = arith.constant 0 : i32
    %c0_i32_1 = arith.constant 0 : i32
    return %c0_i32, %c0_i32_0 : i32, i32
  }
  func.func @transform_7(%arg0: i32) -> (i32, i32) {
    %c0_i32 = arith.constant 0 : i32
    %c0_i32_0 = arith.constant 0 : i32
    %c0_i32_1 = arith.constant 0 : i32
    return %c0_i32, %c0_i32_0 : i32, i32
  }
  func.func @transform_8(%arg0: i32) -> (i32, i32) {
    %c0_i32 = arith.constant 0 : i32
    %c0_i32_0 = arith.constant 0 : i32
    %c0_i32_1 = arith.constant 0 : i32
    return %c0_i32, %c0_i32_0 : i32, i32
  }
  func.func @transform_9(%arg0: i32) -> (i32, i32) {
    %c0_i32 = arith.constant 0 : i32
    %c0_i32_0 = arith.constant 0 : i32
    return %arg0, %c0_i32 : i32, i32
  }
}

</mosaic_0001>

<sc_bundles>
// kernel: kernel.10.cloned.1.call-start
scs
__scs_entry_jumppad:
0x0: {  	(pc) =	sbr.rel $0x88, $3  }
0x1: {  	(tag) =	ssettag $0x0;
	lr =	simm.s32 $0x1  }
0x2: {  	[smem:$0x3F94] =	sst lr;
	_ =	strace $0xD0000000  }
0x3: {  	_ = 	snop  }
0x4: {  	_ = 	snop  }
0x5: {  	_ = 	snop  }
0x6: {  	_ = 	snop  }
0x7: {  	_ = 	snop  }
__scs_overlays_trampoline_lowered:
0x8: {  	[smem:$0x3FA3] =	sst s0  }
0x9: {  	[smem:$0x3FA4] =	sst s1  }
0xa: {  	[smem:$0x3FA5] =	sst s2  }
0xb: {  	[smem:$0x3FA6] =	sst s3  }
0xc: {  	[smem:$0x3FA7] =	sst s4  }
0xd: {  	[smem:$0x3FA8] =	sst s5  }
0xe: {  	[smem:$0x3FA9] =	sst s6  }
0xf: {  	[smem:$0x3FAA] =	sst s7  }
0x10: {  	[smem:$0x3FAB] =	sst s8  }
0x11: {  	[smem:$0x3FAC] =	sst s9;
	s0 =	simm.s32 @!p0 $0x0  }
0x12: {  	s1 =	sld [smem:$0x3F92];
	s0 =	simm.s32 @p0 $0x1  }
0x13: {  	[smem:$0x3FAD] =	sst s0;
	s0 =	simm.s32 @!p1 $0x0  }
0x14: {  	s2 =	sld [smem:$0x3F91];
	s0 =	simm.s32 @p1 $0x1  }
0x15: {  	[smem:$0x3FAE] =	sst s0;
	s0 =	simm.s32 @!p2 $0x0  }
0x16: {  	s3 =	sld [smem:$0x3FDB];
	s0 =	simm.s32 @p2 $0x1  }
0x17: {  	s4 =	simm.s32 $0x1BF5;
	[smem:$0x3FB0] =	sst s0  }
0x18: {  	s0 =	sld [smem:$0x3F93];
	_ =	swait.ge [sflag:s4], $0x0  }
0x19: {  	s7 =	sld [smem:$0x3F94]  }
0x1a: {  	s8 =	sadd.s32 $0xFFFFE003, lr  }
0x1b: {  	s9 =	sadd.s32 $0xFFFFFEF7, lr;
	s5 =	simm.s32 $0xFFFFFFFF;
	p2 =	slt.u32 s8, $0xFFFFF086  }
0x1c: {  	p1 =	slt.u32 s9, $0xF7A;
	s5 =	simm.s32 @!p2 $0x0  }
0x1d: {  	s5 =	simm.s32 @p1 $0x1;
	p0 =	seq.s32 s7, s2  }
0x1e: {  	s7 =	smul.u32 @!p0 $0xF7A, s2;
	p2 =	seq.s32 @!p0 s5, $0x0  }
0x1f: {  	s9 =	smul.u32 $0xF7A, s1;
	s8 =	simm.s32 @!p0 $0x1BF5;
	p2 =	por !p2, p0  }
0x20: {  	[sflag:s8] =	ssyncset.s32 @!p0 $0xFFFFF086;
	s6 =	sadd.s32 @!p0 s3, s7;
	s7 =	simm.s32 @!p0 $0x108  }
0x21: {  	s3 =	sadd.s32 s3, s9;
	s6 =	sadd.s32 @!p0 $0x88, s6;
	s7 =	simm.s32 @p2 $0x1082  }
0x22: {  	[simem:s7], [sflag:s8] =	dma.local @!p0 [hbm:s6], $0xF7A  }
0x23: {  	s9 =	sor.u32 $0xD0000000, s2;
	s6 =	simm.s32 $0x108;
	_ =	swait.ge @!p0 [sflag:s8], $0x0  }
0x24: {  	s3 =	sadd.s32 $0x88, s3;
	s6 =	simm.s32 @!p1 $0x1082;
	[sflag:s4] =	ssyncset.s32 $0xFFFFF086  }
0x25: {  	[simem:s6], [sflag:s4] =	dma.local [hbm:s3], $0xF7A  }
0x26: {  	[smem:$0x3F94] =	sst s1;
	(tag) =	ssettag s2;
	_ =	strace s9  }
0x27: {  	s1 =	sld [smem:$0x3FA4]  }
0x28: {  	s2 =	sld [smem:$0x3FA5]  }
0x29: {  	s4 =	sld [smem:$0x3FA7]  }
0x2a: {  	p0 =	seq.s32 s5, $0x0;
	s5 =	sld [smem:$0x3FA8]  }
0x2b: {  	s6 =	sld [smem:$0x3FA9]  }
0x2c: {  	s7 =	sld [smem:$0x3FAA]  }
0x2d: {  	s3 =	simm.s32 $0x108;
	s8 =	sld [smem:$0x3FAB]  }
0x2e: {  	s3 =	simm.s32 @!p0 $0x1082;
	s9 =	sld [smem:$0x3FAC]  }
0x2f: {  	lr =	sadd.s32 s0, s3;
	s0 =	sld [smem:$0x3FA3]  }
0x30: {  	s3 =	sld [smem:$0x3FA6]  }
0x31: {  	[smem:$0x3FAF] =	sst s10  }
0x32: {  	s10 =	sld [smem:$0x3FAD];
	_ =	sdelay $0x3  }
0x33: {  	p0 =	seq.s32 s10, $0x1;
	s10 =	sld [smem:$0x3FAF];
	_ =	sdelay $0x3  }
0x34: {  	[smem:$0x3FAF] =	sst s10  }
0x35: {  	s10 =	sld [smem:$0x3FAE];
	_ =	sdelay $0x3  }
0x36: {  	p1 =	seq.s32 s10, $0x1;
	s10 =	sld [smem:$0x3FAF];
	_ =	sdelay $0x3  }
0x37: {  	[smem:$0x3FAF] =	sst s10  }
0x38: {  	s10 =	sld [smem:$0x3FB0]  }
0x39: {  	_ = 	snop;
	(pc) =	sbr.ind lr, $3  }
0x3a: {  	_ = 	snop  }
0x3b: {  	_ = 	snop  }
0x3c: {  	p2 =	seq.s32 s10, $0x1;
	s10 =	sld [smem:$0x3FAF]  }
0x3d: {  	_ =	shalt  }
0x3e: {  	_ =	shalt  }
0x3f: {  	_ =	shalt  }
0x40: {  	_ =	shalt  }
0x41: {  	_ =	shalt  }
0x42: {  	_ =	shalt  }
0x43: {  	_ =	shalt  }
0x44: {  	_ =	shalt  }
0x45: {  	_ =	shalt  }
0x46: {  	_ =	shalt  }
0x47: {  	_ =	shalt  }
0x48: {  	_ =	shalt  }
0x49: {  	_ =	shalt  }
0x4a: {  	_ =	shalt  }
0x4b: {  	_ =	shalt  }
0x4c: {  	_ =	shalt  }
0x4d: {  	_ =	shalt  }
0x4e: {  	_ =	shalt  }
0x4f: {  	_ =	shalt  }
0x50: {  	_ =	shalt  }
0x51: {  	_ =	shalt  }
0x52: {  	_ =	shalt  }
0x53: {  	_ =	shalt  }
0x54: {  	_ =	shalt  }
0x55: {  	_ =	shalt  }
0x56: {  	_ =	shalt  }
0x57: {  	_ =	shalt  }
0x58: {  	_ =	shalt  }
0x59: {  	_ =	shalt  }
0x5a: {  	_ =	shalt  }
0x5b: {  	_ =	shalt  }
0x5c: {  	_ =	shalt  }
0x5d: {  	_ =	shalt  }
0x5e: {  	_ =	shalt  }
0x5f: {  	_ =	shalt  }
0x60: {  	_ =	shalt  }
0x61: {  	_ =	shalt  }
0x62: {  	_ =	shalt  }
0x63: {  	_ =	shalt  }
0x64: {  	_ =	shalt  }
0x65: {  	_ =	shalt  }
0x66: {  	_ =	shalt  }
0x67: {  	_ =	shalt  }
0x68: {  	_ =	shalt  }
0x69: {  	_ =	shalt  }
0x6a: {  	_ =	shalt  }
0x6b: {  	_ =	shalt  }
0x6c: {  	_ =	shalt  }
0x6d: {  	_ =	shalt  }
0x6e: {  	_ =	shalt  }
0x6f: {  	_ =	shalt  }
0x70: {  	_ =	shalt  }
0x71: {  	_ =	shalt  }
0x72: {  	_ =	shalt  }
0x73: {  	_ =	shalt  }
0x74: {  	_ =	shalt  }
0x75: {  	_ =	shalt  }
0x76: {  	_ =	shalt  }
0x77: {  	_ =	shalt  }
0x78: {  	_ =	shalt  }
0x79: {  	_ =	shalt  }
0x7a: {  	_ =	shalt  }
0x7b: {  	_ =	shalt  }
0x7c: {  	_ =	shalt  }
0x7d: {  	_ =	shalt  }
0x7e: {  	_ =	shalt  }
0x7f: {  	_ =	shalt  }
0x80: {  	_ =	shalt  }
0x81: {  	_ =	shalt  }
0x82: {  	_ =	shalt  }
0x83: {  	_ =	shalt  }
0x84: {  	_ =	shalt  }
0x85: {  	_ =	shalt  }
0x86: {  	_ =	shalt  }
0x87: {  	_ =	shalt  }
.Lfunc_end0:
.L_simem_size_0:
called_computation.1_lowered:
.L_overlay_start_0:
0x88: {  	s2 =	sld [smem:$0x3FD9]  }
0x89: {  	s3 =	sld [smem:$0x3FFE];
	_ =	sdelay $0x1  }
0x8a: {  	s1 =	srdreg.scid  }
0x8b: {  	s0 =	sand.u32 $0x1, s1  }
0x8c: {  	s17 =	sshll.u32 s0, $0xA;
	s2 =	sadd.s32 s3, s2  }
0x8d: {  	s2 =	sadd.s32 s2, s17  }
0x8e: {  	[smem:$0x3FBB] =	sst s2  }
0x8f: {  	_ = 	snop  }
0x90: {  	s2 =	sld [smem:$0x3FD0];
	(tm) =	ssettm $0x1  }
0x91: {  	s18 =	sld [smem:$0x3FFB];
	_ =	sdelay $0x3  }
0x92: {  	_ =	strace s18  }
0x93: {  	s3 =	sld [smem:$0x3FFC];
	_ =	sdelay $0x3  }
0x94: {  	_ =	strace s3  }
0x95: {  	s3 =	sld [smem:$0x3FFD];
	_ =	sdelay $0x3  }
0x96: {  	_ =	strace s3  }
0x97: {  	_ =	strace $0x8FFFFFFF  }
0x98: {  	s19 =	sld [smem:$0x3FDB];
	_ =	sdelay $0x1  }
0x99: {  	s4 =	simm.s32 $_scs_section_size  }
0x9a: {  	s5 =	simm.s32 $_size__tile_overlayer_lowered;
	s6 =	simm.s32 $_tile_overlayer_lowered  }
0x9b: {  	s22 =	simm.s32 $0x1BFF;
	s21 =	sshll.u32 s6, $0x1;
	s3 =	sadd.s32 s4, s19  }
0x9c: {  	s7 =	simm.s32 $0x0;
	s20 =	sshll.u32 s5, $0x1;
	s5 =	sadd.s32 s21, s3  }
0x9d: {  	[timem:s7], [sflag:s22] =	dma.local [hbm:s5], s20  }
0x9e: {  	_ =	swait.ge [sflag:s22], s20  }
0x9f: {  	s4 =	ssub.s32 $0x0, s20;
	[sflag:s22] =	ssyncset.done $0x0  }
0xa0: {  	[sflag:s22] =	ssyncadd.s32 s4;
	_ =	sdelay $0x1  }
0xa1: {  	s23 =	simm.s32 $0x1B8B  }
0xa2: {  	_ =	swait.ge [sflag:s23], $0x1  }
0xa3: {  	[sflag:s23] =	ssyncset.done $0x0  }
0xa4: {  	s25 =	simm.s32 $0x1B8E;
	s24 =	sld [smem:$0x3FFE];
	[sflag:s23] =	ssyncadd.s32 $0xFFFFFFFF  }
0xa5: {  	s26 =	simm.s32 $execute0_lowered;
	[smem:$0x3FD2] =	sst s25  }
0xa6: {  	s5 =	sshll.u32 s26, $0x1;
	_ =	strace $0x80000049;
	[dreg:$0x1] =	wrdreg $0xFFFFFFFF  }
0xa7: {  	s28 =	simm.s32 $_size_execute0_lowered;
	s3 =	sadd.s32 s3, s5;
	[dreg:$0x0] =	wrdreg $0x0  }
0xa8: {  	s5 =	sshll.u32 s28, $0x1;
	[dreg:$0x2] =	wrdreg s3  }
0xa9: {  	[dreg:$0x3] =	wrdreg s5  }
0xaa: {  	[dreg:$0x4] =	wrdreg $0xC0  }
0xab: {  	_ =	task [dreg:s7], $0x5FFFF  }
0xac: {  	[dreg:$0x1] =	wrdreg $0xFFFFFFFF  }
0xad: {  	[dreg:$0x0] =	wrdreg $0x60  }
0xae: {  	[dreg:$0x2] =	wrdreg s24  }
0xaf: {  	[dreg:$0x3] =	wrdreg s2  }
0xb0: {  	[dreg:$0x4] =	wrdreg $0x60000  }
0xb1: {  	[dreg:$0x5] =	wrdreg $0x9  }
0xb2: {  	_ =	task.clear_ibuf [dreg:s7], $0x6FFFF;
	_ =	strace $0x90000049  }
0xb3: {  	s29 =	simm.s32 $0x9;
	_ =	strace $0x8000004B  }
0xb4: {  	_ =	swait.ge [sflag:s29], $0x1  }
0xb5: {  	[sflag:s29] =	ssyncadd.s32 $0xFFFFFFFF  }
0xb6: {  	_ =	strace $0x9000004B  }
0xb7: {  	_ =	sfence  }
0xb8: {  	s30 =	sld [smem:$0x0];
	_ =	sdelay $0x2  }
0xb9: {  	s31 =	sshll.u32 s1, $0xD;
	s1 =	sshrl.u32 s1, $0x2  }
0xba: {  	s3 =	sand.u32 $0x4000, s31;
	s1 =	sadd.s32 s1, s30  }
0xbb: {  	s0 =	sor.u32 s3, s0;
	s1 =	sshll.u32 s1, $0x11  }
0xbc: {  	s0 =	sor.u32 s1, s0  }
0xbd: {  	s0 =	sadd.s32 $0x8F2B, s0  }
0xbe: {  	[sflag:s0] =	ssyncadd.remote.s32 $0x1  }
0xbf: {  	_ =	sfence.sel $0xFFFF  }
0xc0: {  	[dreg:$0x0] =	wrdreg $0xFFFFFFFF;
	(pc) =	sbr.abs _section_cstart, $3  }
0xc1: {  	[dreg:$0x1] =	wrdreg $0xFFFFFFFF  }
0xc2: {  	_ =	task.clear_ibuf [dreg:s7], $0x2FFFF;
	_ =	strace $0x9FFFFFFF  }
0xc3: {  	(tm) =	ssettm $0x7FFFFFFF  }
tec
execute0_lowered:
.L_overlay_start_1:
0x0: {  	(tag) =	ssettag $0x1  }
0x1: {  	s5 =	rddreg [dreg:$0x0]  }
0x2: {  	s8 =	rddreg [dreg:$0x1]  }
0x3: {  	s1 =	srdreg.scid;
	s0 =	stileid.u32  }
0x4: {  	s2 =	rddreg [dreg:$0x2];
	s3 =	simm.s32 $0x0;
	s19 =	simm.s32 $0x2  }
0x5: {  	s26 =	simm.s32 $0x80;
	s28 =	simm.s32 $0x1;
	s29 =	simm.s32 $0x0  }
0x6: {  	s6 =	sand.u32 $0x1, s1;
	s4 =	sshll.u32 s0, $0x1;
	s9 =	smul.u32 $0x14000, s0  }
0x7: {  	[smem:$0x7FF] =	sst s3;
	s16 =	smul.u32 $0x5000, s0;
	s4 =	sor.u32 s6, s4  }
0x8: {  	_ =	strace $0x8000004A;
	s30 =	ssub.s32 $0x2, s6;
	s11 =	smul.u32 $0xA000, s6  }
0x9: {  	s7 =	smul.u32 $0x500, s4;
	s4 =	sadd.s32 $0x1400, s5;
	s10 =	sshrl.u32 s30, $0x1  }
0xa: {  	s9 =	sshrl.u32 s9, $0x2;
	s20 =	sshrl.u32 s16, $0x3;
	s15 =	sadd.s32 $0x1000, s16  }
0xb: {  	s17 =	sadd.s32 $0x2000, s16;
	s31 =	sadd.s32 $0x3000, s16;
	s18 =	sadd.s32 $0x4000, s16  }
0xc: {  	s10 =	ssub.s32 s30, s10;
	s24 =	sadd.s32 s8, s11;
	s8 =	sadd.s32 s16, s2  }
0xd: {  	s14 =	sadd.s32 s15, s2;
	s21 =	sshrl.u32 s15, $0x3;
	s15 =	sadd.s32 s17, s2  }
0xe: {  	s22 =	sshrl.u32 s17, $0x3;
	s16 =	sadd.s32 s31, s2;
	s23 =	sshrl.u32 s31, $0x3  }
0xf: {  	s17 =	sadd.s32 s18, s2;
	s25 =	sshrl.u32 s18, $0x3;
	s18 =	simm.s32 $0x5000  }
0x10: {  	s7 =	sadd.s32 s7, s5;
	s5 =	sadd.s32 s9, s2;
	s9 =	smax.u32 s10, $0x1  }
0x11: {  	s20 =	sadd.s32 s20, s24;
	s21 =	sadd.s32 s21, s24;
	s22 =	sadd.s32 s22, s24  }
0x12: {  	s23 =	sadd.s32 s23, s24;
	s24 =	sadd.s32 s25, s24;
	s25 =	simm.s32 $0x2800  }
0x13: {  	s6 =	sadd.s32 $0x37400, s7;
	s7 =	sadd.s32 $0x2D400, s7;
	s10 =	sadd.s32 $0x1000, s5  }
0x14: {  	v0 =	vimm.f32 $0.0e+00;
	s11 =	sadd.s32 $0x2000, s5;
	s12 =	sadd.s32 $0x3000, s5;
	s13 =	sadd.s32 $0x4000, s5  }
.LBB2_1:
0x15: {  	s30 =	simm.s32 $0x80;
	s31 =	simm.s32 $0x0  }
.LBB2_2:
0x16: {  	p0 =	sne.s32 s30, $0x3F80;
	[tilespmem:s31+$0x5000] =	vst v0;
	s1 =	smov.u32 s30;
	s30 =	sadd.s32 $0x80, s30  }
.Ltmp0:
0x17: {  	[tilespmem:s31+$0x5010] =	vst v0;
	(pc) =	sbr.rel @p0 .LBB2_2-.Ltmp0, $2  }
0x18: {  	_ =	sdelay $0x2  }
0x19: {  	s31 =	sshra.s32 s1, $0x2  }
0x1a: {  	[tilespmem:s31+$0x5000] =	vst v0  }
0x1b: {  	[tilespmem:s31+$0x5010] =	vst v0  }
0x1c: {  	[spmem:s5] =	stream.linear.scatter [tilespmem:s18], [sflag:$0x2], $0x1000, $0x38;
	[tilespmem:$0xB000] =	vst v63  }
0x1d: {  	_ =	swait.ge [sflag:s19], $0x1000  }
0x1e: {  	[sflag:s19] =	ssyncset.done $0x0  }
0x1f: {  	[sflag:s19] =	ssyncadd.s32 $0xFFFFF000  }
0x20: {  	[spmem:s10] =	stream.linear.scatter [tilespmem:s18], [sflag:$0x2], $0x1000, $0x38;
	[tilespmem:$0xB000] =	vst v63  }
0x21: {  	_ =	swait.ge [sflag:s19], $0x1000  }
0x22: {  	[sflag:s19] =	ssyncset.done $0x0  }
0x23: {  	[sflag:s19] =	ssyncadd.s32 $0xFFFFF000  }
0x24: {  	[spmem:s11] =	stream.linear.scatter [tilespmem:s18], [sflag:$0x2], $0x1000, $0x38;
	[tilespmem:$0xB000] =	vst v63  }
0x25: {  	_ =	swait.ge [sflag:s19], $0x1000  }
0x26: {  	[sflag:s19] =	ssyncset.done $0x0  }
0x27: {  	[sflag:s19] =	ssyncadd.s32 $0xFFFFF000  }
0x28: {  	[spmem:s12] =	stream.linear.scatter [tilespmem:s18], [sflag:$0x2], $0x1000, $0x38;
	[tilespmem:$0xB000] =	vst v63  }
0x29: {  	_ =	swait.ge [sflag:s19], $0x1000  }
0x2a: {  	[sflag:s19] =	ssyncset.done $0x0  }
0x2b: {  	[sflag:s19] =	ssyncadd.s32 $0xFFFFF000  }
0x2c: {  	[spmem:s13] =	stream.linear.scatter [tilespmem:s18], [sflag:$0x2], $0x1000, $0x38;
	[tilespmem:$0xB000] =	vst v63  }
0x2d: {  	_ =	swait.ge [sflag:s19], $0x1000  }
0x2e: {  	[sflag:s19] =	ssyncset.done $0x0  }
0x2f: {  	[sflag:s19] =	ssyncadd.s32 $0xFFFFF000  }
0x30: {  	s1 =	simm.s32 $0x0;
	[bflag:$0x0] =	sbarrier.arrive $0xFFFF  }
0x31: {  	[tilespmem:s1], [sflag:$0x2] =	stream.linear.gather [hbm4b:s6+s1], $0x2800, $0x38;
	[tilespmem:$0xB000] =	vst v63  }
0x32: {  	_ =	swait.ge [sflag:s19], $0x2800  }
0x33: {  	[sflag:s19] =	ssyncset.done $0x0  }
0x34: {  	[sflag:s19] =	ssyncadd.s32 $0xFFFFD800  }
0x35: {  	[tilespmem:s25], [sflag:$0x2] =	stream.linear.gather [hbm4b:s7+s1], $0x2800, $0x38;
	[tilespmem:$0xB000] =	vst v63  }
0x36: {  	_ =	swait.ge [sflag:s19], $0x2800  }
0x37: {  	[sflag:s19] =	ssyncset.done $0x0  }
0x38: {  	s0 =	simm.s32 $0x0;
	[sflag:s19] =	ssyncadd.s32 $0xFFFFD800  }
0x39: {  	[tilespmem:s18], [sflag:$0x1] =	stream.indirect.gather [hbm4b:s4+s26], $0x20, s0, s26, $0xb8;
	[tilespmem:$0xB000] =	vst v63  }
0x3a: {  	_ =	swait.ge [sflag:s28], $0x1000  }
0x3b: {  	[sflag:s28] =	ssyncset.done $0x0  }
0x3c: {  	s0 =	simm.s32 $0x2800;
	[sflag:s28] =	ssyncadd.s32 $0xFFFFF000  }
0x3d: {  	[spmem:s2] =	stream.indirect.scatter.add.f32 [tilespmem:s18], [sflag:$0x2], $0x20, s0, s26, $0xb8;
	[tilespmem:$0xB000] =	vst v63  }
0x3e: {  	_ =	swait.ge [sflag:s19], $0x1000  }
0x3f: {  	s30 =	simm.s32 $0x200;
	s31 =	simm.s32 $0x400;
	[sflag:s19] =	ssyncset.done $0x0  }
.LBB2_4:
0x40: {  	s1 =	sshra.s32 s30, $0x2  }
0x41: {  	[sflag:s19] =	ssyncadd.s32 $0xFFFFF000;
	s30 =	smov.u32 s31;
	s0 =	sadd.s32 $0x200, s31  }
0x42: {  	[tilespmem:s18], [sflag:$0x1] =	stream.indirect.gather [hbm4b:s4+s26], $0x20, s1, s26, $0xb8;
	[tilespmem:$0xB000] =	vst v63  }
0x43: {  	p0 =	sne.s32 s31, $0x9E00;
	_ =	swait.ge [sflag:s28], $0x1000  }
.Ltmp1:
0x44: {  	[sflag:s28] =	ssyncset.done $0x0;
	(pc) =	sbr.rel @p0 .LBB2_4-.Ltmp1, $4  }
0x45: {  	s1 =	sadd.s32 $0x2800, s1;
	[sflag:s28] =	ssyncadd.s32 $0xFFFFF000  }
0x46: {  	[spmem:s2] =	stream.indirect.scatter.add.f32 [tilespmem:s18], [sflag:$0x2], $0x20, s1, s26, $0xb8;
	[tilespmem:$0xB000] =	vst v63  }
0x47: {  	_ =	swait.ge [sflag:s19], $0x1000  }
0x48: {  	s31 =	smov.u32 s0;
	[sflag:s19] =	ssyncset.done $0x0  }
0x49: {  	s0 =	sshra.s32 s30, $0x2;
	[sflag:s19] =	ssyncadd.s32 $0xFFFFF000  }
0x4a: {  	[tilespmem:s18], [sflag:$0x1] =	stream.indirect.gather [hbm4b:s4+s26], $0x20, s0, s26, $0xb8;
	[tilespmem:$0xB000] =	vst v63  }
0x4b: {  	_ =	swait.ge [sflag:s28], $0x1000  }
0x4c: {  	[sflag:s28] =	ssyncset.done $0x0  }
0x4d: {  	s0 =	sadd.s32 $0x2800, s0;
	[sflag:s28] =	ssyncadd.s32 $0xFFFFF000  }
0x4e: {  	[spmem:s2] =	stream.indirect.scatter.add.f32 [tilespmem:s18], [sflag:$0x2], $0x20, s0, s26, $0xb8;
	[tilespmem:$0xB000] =	vst v63  }
0x4f: {  	_ =	swait.ge [sflag:s19], $0x1000  }
0x50: {  	[sflag:s19] =	ssyncset.done $0x0  }
0x51: {  	[sflag:s19] =	ssyncadd.s32 $0xFFFFF000  }
0x52: {  	[bflag:$0x0] =	sbarrier.arrive $0xFFFF  }
0x53: {  	[tilespmem:s18], [sflag:$0x2] =	stream.linear.gather [spmem:s8], $0x1000, $0x38;
	[tilespmem:$0xB000] =	vst v63  }
0x54: {  	_ =	swait.ge [sflag:s19], $0x1000  }
0x55: {  	[sflag:s19] =	ssyncset.done $0x0  }
0x56: {  	[sflag:s19] =	ssyncadd.s32 $0xFFFFF000  }
0x57: {  	[hbm4b:s20+s3] =	stream.linear.scatter [tilespmem:s18], [sflag:$0x2], $0x1000, $0x38;
	[tilespmem:$0xB000] =	vst v63  }
0x58: {  	_ =	swait.ge [sflag:s19], $0x1000  }
0x59: {  	[sflag:s19] =	ssyncset.done $0x0  }
0x5a: {  	[sflag:s19] =	ssyncadd.s32 $0xFFFFF000  }
0x5b: {  	[tilespmem:s18], [sflag:$0x2] =	stream.linear.gather [spmem:s14], $0x1000, $0x38;
	[tilespmem:$0xB000] =	vst v63  }
0x5c: {  	_ =	swait.ge [sflag:s19], $0x1000  }
0x5d: {  	[sflag:s19] =	ssyncset.done $0x0  }
0x5e: {  	[sflag:s19] =	ssyncadd.s32 $0xFFFFF000  }
0x5f: {  	[hbm4b:s21+s3] =	stream.linear.scatter [tilespmem:s18], [sflag:$0x2], $0x1000, $0x38;
	[tilespmem:$0xB000] =	vst v63  }
0x60: {  	_ =	swait.ge [sflag:s19], $0x1000  }
0x61: {  	[sflag:s19] =	ssyncset.done $0x0  }
0x62: {  	[sflag:s19] =	ssyncadd.s32 $0xFFFFF000  }
0x63: {  	[tilespmem:s18], [sflag:$0x2] =	stream.linear.gather [spmem:s15], $0x1000, $0x38;
	[tilespmem:$0xB000] =	vst v63  }
0x64: {  	_ =	swait.ge [sflag:s19], $0x1000  }
0x65: {  	[sflag:s19] =	ssyncset.done $0x0  }
0x66: {  	[sflag:s19] =	ssyncadd.s32 $0xFFFFF000  }
0x67: {  	[hbm4b:s22+s3] =	stream.linear.scatter [tilespmem:s18], [sflag:$0x2], $0x1000, $0x38;
	[tilespmem:$0xB000] =	vst v63  }
0x68: {  	_ =	swait.ge [sflag:s19], $0x1000  }
0x69: {  	[sflag:s19] =	ssyncset.done $0x0  }
0x6a: {  	[sflag:s19] =	ssyncadd.s32 $0xFFFFF000  }
0x6b: {  	[tilespmem:s18], [sflag:$0x2] =	stream.linear.gather [spmem:s16], $0x1000, $0x38;
	[tilespmem:$0xB000] =	vst v63  }
0x6c: {  	_ =	swait.ge [sflag:s19], $0x1000  }
0x6d: {  	[sflag:s19] =	ssyncset.done $0x0  }
0x6e: {  	[sflag:s19] =	ssyncadd.s32 $0xFFFFF000  }
0x6f: {  	[hbm4b:s23+s3] =	stream.linear.scatter [tilespmem:s18], [sflag:$0x2], $0x1000, $0x38;
	[tilespmem:$0xB000] =	vst v63  }
0x70: {  	_ =	swait.ge [sflag:s19], $0x1000  }
0x71: {  	[sflag:s19] =	ssyncset.done $0x0  }
0x72: {  	[sflag:s19] =	ssyncadd.s32 $0xFFFFF000  }
0x73: {  	[tilespmem:s18], [sflag:$0x2] =	stream.linear.gather [spmem:s17], $0x1000, $0x38;
	[tilespmem:$0xB000] =	vst v63  }
0x74: {  	s29 =	sadd.s32 $0x1, s29;
	_ =	swait.ge [sflag:s19], $0x1000  }
0x75: {  	p0 =	sne.s32 s29, s9;
	[sflag:s19] =	ssyncset.done $0x0  }
.Ltmp2:
0x76: {  	[sflag:s19] =	ssyncadd.s32 $0xFFFFF000;
	(pc) =	sbr.rel @p0 .LBB2_1-.Ltmp2, $4  }
0x77: {  	[hbm4b:s24+s3] =	stream.linear.scatter [tilespmem:s18], [sflag:$0x2], $0x1000, $0x38;
	[tilespmem:$0xB000] =	vst v63  }
0x78: {  	_ =	swait.ge [sflag:s19], $0x1000  }
0x79: {  	[sflag:s19] =	ssyncset.done $0x0  }
0x7a: {  	[sflag:s19] =	ssyncadd.s32 $0xFFFFF000  }
0x7b: {  	_ =	sfence.sel $0x180000  }
0x7c: {  	[bflag:$0x0] =	sbarrier.arrive $0xFFFF  }
0x7d: {  	_ =	strace $0x9000004A  }
0x7e: {  	s0 =	stileid.u32;
	[bflag:$0x2] =	sbarrier.arrive $0xFFFF  }
0x7f: {  	p0 =	sne.s32 s0, $0x0;
	s0 =	rddreg [dreg:$0x3]  }
0x80: {  	s0 =	sadd.s32 @!p0 $0x100000, s0  }
0x81: {  	[sflag:s0] =	ssyncadd.tile.s32 @!p0 $0x1;
	_ =	shalt  }
.Lfunc_end2:
_tile_overlayer_lowered:
.L_overlay_start_2:
0x82: {  	(tag) =	ssettag $0x2  }
0x83: {  	s0 =	rddreg [dreg:$0x0];
	s2 =	stileid.u32  }
0x84: {  	s1 =	rddreg [dreg:$0x1];
	p0 =	sne.s32 s2, $0x0  }
0x85: {  	s3 =	rddreg [dreg:$0x2];
	[bflag:$0x3] =	sbarrier.arrive $0xFFFF;
	s2 =	simm.s32 @!p0 $0x1C02  }
0x86: {  	[timem:s3], [sflag:s2] =	dma.local @!p0 [hbm:s0], s1  }
0x87: {  	s0 =	simm.s32 @!p0 $0x2  }
0x88: {  	_ =	swait.ge @!p0 [sflag:s0], s1  }
0x89: {  	s1 =	ssub.s32 @!p0 $0x0, s1;
	[sflag:s0] =	ssyncset.done @!p0 $0x0  }
0x8a: {  	[sflag:s0] =	ssyncadd.s32 @!p0 s1  }
0x8b: {  	[bflag:$0x3] =	sbarrier.arrive $0xFFFF  }
0x8c: {  	_ =	shalt  }

// kernel: kernel.7.cloned.1.call-start
scs
__scs_entry_jumppad:
0x0: {  	(pc) =	sbr.rel $0x88, $3  }
0x1: {  	(tag) =	ssettag $0x0;
	lr =	simm.s32 $0x1  }
0x2: {  	[smem:$0x3F94] =	sst lr;
	_ =	strace $0xD0000000  }
0x3: {  	_ = 	snop  }
0x4: {  	_ = 	snop  }
0x5: {  	_ = 	snop  }
0x6: {  	_ = 	snop  }
0x7: {  	_ = 	snop  }
__scs_overlays_trampoline_lowered:
0x8: {  	[smem:$0x3FA3] =	sst s0  }
0x9: {  	[smem:$0x3FA4] =	sst s1  }
0xa: {  	[smem:$0x3FA5] =	sst s2  }
0xb: {  	[smem:$0x3FA6] =	sst s3  }
0xc: {  	[smem:$0x3FA7] =	sst s4  }
0xd: {  	[smem:$0x3FA8] =	sst s5  }
0xe: {  	[smem:$0x3FA9] =	sst s6  }
0xf: {  	[smem:$0x3FAA] =	sst s7  }
0x10: {  	[smem:$0x3FAB] =	sst s8  }
0x11: {  	[smem:$0x3FAC] =	sst s9;
	s0 =	simm.s32 @!p0 $0x0  }
0x12: {  	s1 =	sld [smem:$0x3F92];
	s0 =	simm.s32 @p0 $0x1  }
0x13: {  	[smem:$0x3FAD] =	sst s0;
	s0 =	simm.s32 @!p1 $0x0  }
0x14: {  	s2 =	sld [smem:$0x3F91];
	s0 =	simm.s32 @p1 $0x1  }
0x15: {  	[smem:$0x3FAE] =	sst s0;
	s0 =	simm.s32 @!p2 $0x0  }
0x16: {  	s3 =	sld [smem:$0x3FDB];
	s0 =	simm.s32 @p2 $0x1  }
0x17: {  	s4 =	simm.s32 $0x1BF5;
	[smem:$0x3FB0] =	sst s0  }
0x18: {  	s0 =	sld [smem:$0x3F93];
	_ =	swait.ge [sflag:s4], $0x0  }
0x19: {  	s7 =	sld [smem:$0x3F94]  }
0x1a: {  	s8 =	sadd.s32 $0xFFFFE003, lr  }
0x1b: {  	s9 =	sadd.s32 $0xFFFFFEF7, lr;
	s5 =	simm.s32 $0xFFFFFFFF;
	p2 =	slt.u32 s8, $0xFFFFF086  }
0x1c: {  	p1 =	slt.u32 s9, $0xF7A;
	s5 =	simm.s32 @!p2 $0x0  }
0x1d: {  	s5 =	simm.s32 @p1 $0x1;
	p0 =	seq.s32 s7, s2  }
0x1e: {  	s7 =	smul.u32 @!p0 $0xF7A, s2;
	p2 =	seq.s32 @!p0 s5, $0x0  }
0x1f: {  	s9 =	smul.u32 $0xF7A, s1;
	s8 =	simm.s32 @!p0 $0x1BF5;
	p2 =	por !p2, p0  }
0x20: {  	[sflag:s8] =	ssyncset.s32 @!p0 $0xFFFFF086;
	s6 =	sadd.s32 @!p0 s3, s7;
	s7 =	simm.s32 @!p0 $0x108  }
0x21: {  	s3 =	sadd.s32 s3, s9;
	s6 =	sadd.s32 @!p0 $0x88, s6;
	s7 =	simm.s32 @p2 $0x1082  }
0x22: {  	[simem:s7], [sflag:s8] =	dma.local @!p0 [hbm:s6], $0xF7A  }
0x23: {  	s9 =	sor.u32 $0xD0000000, s2;
	s6 =	simm.s32 $0x108;
	_ =	swait.ge @!p0 [sflag:s8], $0x0  }
0x24: {  	s3 =	sadd.s32 $0x88, s3;
	s6 =	simm.s32 @!p1 $0x1082;
	[sflag:s4] =	ssyncset.s32 $0xFFFFF086  }
0x25: {  	[simem:s6], [sflag:s4] =	dma.local [hbm:s3], $0xF7A  }
0x26: {  	[smem:$0x3F94] =	sst s1;
	(tag) =	ssettag s2;
	_ =	strace s9  }
0x27: {  	s1 =	sld [smem:$0x3FA4]  }
0x28: {  	s2 =	sld [smem:$0x3FA5]  }
0x29: {  	s4 =	sld [smem:$0x3FA7]  }
0x2a: {  	p0 =	seq.s32 s5, $0x0;
	s5 =	sld [smem:$0x3FA8]  }
0x2b: {  	s6 =	sld [smem:$0x3FA9]  }
0x2c: {  	s7 =	sld [smem:$0x3FAA]  }
0x2d: {  	s3 =	simm.s32 $0x108;
	s8 =	sld [smem:$0x3FAB]  }
0x2e: {  	s3 =	simm.s32 @!p0 $0x1082;
	s9 =	sld [smem:$0x3FAC]  }
0x2f: {  	lr =	sadd.s32 s0, s3;
	s0 =	sld [smem:$0x3FA3]  }
0x30: {  	s3 =	sld [smem:$0x3FA6]  }
0x31: {  	[smem:$0x3FAF] =	sst s10  }
0x32: {  	s10 =	sld [smem:$0x3FAD];
	_ =	sdelay $0x3  }
0x33: {  	p0 =	seq.s32 s10, $0x1;
	s10 =	sld [smem:$0x3FAF];
	_ =	sdelay $0x3  }
0x34: {  	[smem:$0x3FAF] =	sst s10  }
0x35: {  	s10 =	sld [smem:$0x3FAE];
	_ =	sdelay $0x3  }
0x36: {  	p1 =	seq.s32 s10, $0x1;
	s10 =	sld [smem:$0x3FAF];
	_ =	sdelay $0x3  }
0x37: {  	[smem:$0x3FAF] =	sst s10  }
0x38: {  	s10 =	sld [smem:$0x3FB0]  }
0x39: {  	_ = 	snop;
	(pc) =	sbr.ind lr, $3  }
0x3a: {  	_ = 	snop  }
0x3b: {  	_ = 	snop  }
0x3c: {  	p2 =	seq.s32 s10, $0x1;
	s10 =	sld [smem:$0x3FAF]  }
0x3d: {  	_ =	shalt  }
0x3e: {  	_ =	shalt  }
0x3f: {  	_ =	shalt  }
0x40: {  	_ =	shalt  }
0x41: {  	_ =	shalt  }
0x42: {  	_ =	shalt  }
0x43: {  	_ =	shalt  }
0x44: {  	_ =	shalt  }
0x45: {  	_ =	shalt  }
0x46: {  	_ =	shalt  }
0x47: {  	_ =	shalt  }
0x48: {  	_ =	shalt  }
0x49: {  	_ =	shalt  }
0x4a: {  	_ =	shalt  }
0x4b: {  	_ =	shalt  }
0x4c: {  	_ =	shalt  }
0x4d: {  	_ =	shalt  }
0x4e: {  	_ =	shalt  }
0x4f: {  	_ =	shalt  }
0x50: {  	_ =	shalt  }
0x51: {  	_ =	shalt  }
0x52: {  	_ =	shalt  }
0x53: {  	_ =	shalt  }
0x54: {  	_ =	shalt  }
0x55: {  	_ =	shalt  }
0x56: {  	_ =	shalt  }
0x57: {  	_ =	shalt  }
0x58: {  	_ =	shalt  }
0x59: {  	_ =	shalt  }
0x5a: {  	_ =	shalt  }
0x5b: {  	_ =	shalt  }
0x5c: {  	_ =	shalt  }
0x5d: {  	_ =	shalt  }
0x5e: {  	_ =	shalt  }
0x5f: {  	_ =	shalt  }
0x60: {  	_ =	shalt  }
0x61: {  	_ =	shalt  }
0x62: {  	_ =	shalt  }
0x63: {  	_ =	shalt  }
0x64: {  	_ =	shalt  }
0x65: {  	_ =	shalt  }
0x66: {  	_ =	shalt  }
0x67: {  	_ =	shalt  }
0x68: {  	_ =	shalt  }
0x69: {  	_ =	shalt  }
0x6a: {  	_ =	shalt  }
0x6b: {  	_ =	shalt  }
0x6c: {  	_ =	shalt  }
0x6d: {  	_ =	shalt  }
0x6e: {  	_ =	shalt  }
0x6f: {  	_ =	shalt  }
0x70: {  	_ =	shalt  }
0x71: {  	_ =	shalt  }
0x72: {  	_ =	shalt  }
0x73: {  	_ =	shalt  }
0x74: {  	_ =	shalt  }
0x75: {  	_ =	shalt  }
0x76: {  	_ =	shalt  }
0x77: {  	_ =	shalt  }
0x78: {  	_ =	shalt  }
0x79: {  	_ =	shalt  }
0x7a: {  	_ =	shalt  }
0x7b: {  	_ =	shalt  }
0x7c: {  	_ =	shalt  }
0x7d: {  	_ =	shalt  }
0x7e: {  	_ =	shalt  }
0x7f: {  	_ =	shalt  }
0x80: {  	_ =	shalt  }
0x81: {  	_ =	shalt  }
0x82: {  	_ =	shalt  }
0x83: {  	_ =	shalt  }
0x84: {  	_ =	shalt  }
0x85: {  	_ =	shalt  }
0x86: {  	_ =	shalt  }
0x87: {  	_ =	shalt  }
.Lfunc_end0:
.L_simem_size_0:
called_computation_lowered:
.L_overlay_start_0:
0x88: {  	s2 =	sld [smem:$0x3FD9]  }
0x89: {  	s3 =	sld [smem:$0x3FFE];
	_ =	sdelay $0x1  }
0x8a: {  	s1 =	srdreg.scid  }
0x8b: {  	s0 =	sand.u32 $0x1, s1  }
0x8c: {  	s16 =	sshll.u32 s0, $0xA;
	s2 =	sadd.s32 s3, s2  }
0x8d: {  	s2 =	sadd.s32 s2, s16  }
0x8e: {  	[smem:$0x3FBB] =	sst s2  }
0x8f: {  	_ = 	snop  }
0x90: {  	(tm) =	ssettm $0x1  }
0x91: {  	s17 =	sld [smem:$0x3FFB];
	_ =	sdelay $0x3  }
0x92: {  	_ =	strace s17  }
0x93: {  	s2 =	sld [smem:$0x3FFC];
	_ =	sdelay $0x3  }
0x94: {  	_ =	strace s2  }
0x95: {  	s2 =	sld [smem:$0x3FFD];
	_ =	sdelay $0x3  }
0x96: {  	_ =	strace s2  }
0x97: {  	_ =	strace $0x8FFFFFFF  }
0x98: {  	s18 =	sld [smem:$0x3FDB];
	_ =	sdelay $0x1  }
0x99: {  	s19 =	simm.s32 $_scs_section_size  }
0x9a: {  	s4 =	simm.s32 $_size__tile_overlayer_lowered;
	s5 =	simm.s32 $_tile_overlayer_lowered  }
0x9b: {  	s22 =	simm.s32 $0x1BFF;
	s21 =	sshll.u32 s5, $0x1;
	s2 =	sadd.s32 s19, s18  }
0x9c: {  	s6 =	simm.s32 $0x0;
	s20 =	sshll.u32 s4, $0x1;
	s4 =	sadd.s32 s21, s2  }
0x9d: {  	[timem:s6], [sflag:s22] =	dma.local [hbm:s4], s20  }
0x9e: {  	_ =	swait.ge [sflag:s22], s20  }
0x9f: {  	s3 =	ssub.s32 $0x0, s20;
	[sflag:s22] =	ssyncset.done $0x0  }
0xa0: {  	[sflag:s22] =	ssyncadd.s32 s3;
	_ =	sdelay $0x1  }
0xa1: {  	s23 =	simm.s32 $0x1B8B  }
0xa2: {  	_ =	swait.ge [sflag:s23], $0x1  }
0xa3: {  	[sflag:s23] =	ssyncset.done $0x0  }
0xa4: {  	s25 =	simm.s32 $0x1B8E;
	s24 =	sld [smem:$0x3FFE];
	[sflag:s23] =	ssyncadd.s32 $0xFFFFFFFF  }
0xa5: {  	s26 =	simm.s32 $execute0_lowered;
	[smem:$0x3FD2] =	sst s25  }
0xa6: {  	s4 =	sshll.u32 s26, $0x1;
	_ =	strace $0x80000046;
	[dreg:$0x1] =	wrdreg $0xFFFFFFFF  }
0xa7: {  	s28 =	simm.s32 $_size_execute0_lowered;
	s2 =	sadd.s32 s2, s4;
	[dreg:$0x0] =	wrdreg $0x0  }
0xa8: {  	s4 =	sshll.u32 s28, $0x1;
	[dreg:$0x2] =	wrdreg s2  }
0xa9: {  	[dreg:$0x3] =	wrdreg s4  }
0xaa: {  	[dreg:$0x4] =	wrdreg $0xC0  }
0xab: {  	_ =	task [dreg:s6], $0x5FFFF  }
0xac: {  	[dreg:$0x1] =	wrdreg $0xFFFFFFFF  }
0xad: {  	[dreg:$0x0] =	wrdreg $0x60  }
0xae: {  	[dreg:$0x2] =	wrdreg s24  }
0xaf: {  	[dreg:$0x3] =	wrdreg $0x98000  }
0xb0: {  	[dreg:$0x4] =	wrdreg $0x9  }
0xb1: {  	_ =	task.clear_ibuf [dreg:s6], $0x5FFFF;
	_ =	strace $0x90000046  }
0xb2: {  	s29 =	simm.s32 $0x9;
	_ =	strace $0x80000048  }
0xb3: {  	_ =	swait.ge [sflag:s29], $0x1  }
0xb4: {  	[sflag:s29] =	ssyncadd.s32 $0xFFFFFFFF  }
0xb5: {  	_ =	strace $0x90000048  }
0xb6: {  	_ =	sfence  }
0xb7: {  	s30 =	sld [smem:$0x0];
	_ =	sdelay $0x2  }
0xb8: {  	s31 =	sshll.u32 s1, $0xD;
	s1 =	sshrl.u32 s1, $0x2  }
0xb9: {  	s3 =	sand.u32 $0x4000, s31;
	s1 =	sadd.s32 s1, s30  }
0xba: {  	s0 =	sor.u32 s3, s0;
	s1 =	sshll.u32 s1, $0x11  }
0xbb: {  	s0 =	sor.u32 s1, s0  }
0xbc: {  	s0 =	sadd.s32 $0x8F2B, s0  }
0xbd: {  	[sflag:s0] =	ssyncadd.remote.s32 $0x1  }
0xbe: {  	_ =	sfence.sel $0xFFFF  }
0xbf: {  	[dreg:$0x0] =	wrdreg $0xFFFFFFFF;
	(pc) =	sbr.abs _section_cstart, $3  }
0xc0: {  	[dreg:$0x1] =	wrdreg $0xFFFFFFFF  }
0xc1: {  	_ =	task.clear_ibuf [dreg:s6], $0x2FFFF;
	_ =	strace $0x9FFFFFFF  }
0xc2: {  	(tm) =	ssettm $0x7FFFFFFF  }
0xc3: {  	_ =	shalt  }
tec
execute0_lowered:
.L_overlay_start_1:
0x0: {  	(tag) =	ssettag $0x1  }
0x1: {  	s5 =	rddreg [dreg:$0x0]  }
0x2: {  	s2 =	rddreg [dreg:$0x1]  }
0x3: {  	s4 =	srdreg.scid;
	s0 =	stileid.u32;
	s3 =	simm.s32 $0x0  }
0x4: {  	s19 =	simm.s32 $0x2;
	s28 =	simm.s32 $0x1;
	s10 =	smul.u32 $0x280, s0  }
0x5: {  	s29 =	simm.s32 $0x0;
	s6 =	sand.u32 $0x1, s4;
	s16 =	smul.u32 $0x16800, s0  }
0x6: {  	s24 =	sshll.u32 s0, $0x1;
	[smem:$0x7FF] =	sst s3;
	s12 =	smul.u32 $0x5A000, s0  }
0x7: {  	s4 =	sor.u32 s6, s24;
	_ =	strace $0x80000047;
	s8 =	smul.u32 $0x2D000, s6  }
0x8: {  	s6 =	ssub.s32 $0x2, s6;
	s7 =	smul.u32 $0x500, s4;
	s4 =	sadd.s32 $0x1400, s5  }
0x9: {  	s9 =	sshrl.u32 s6, $0x1;
	s13 =	sadd.s32 $0x80, s10;
	s25 =	sshrl.u32 s12, $0x2  }
0xa: {  	s11 =	sadd.s32 $0x24000, s12;
	s14 =	sadd.s32 $0x36000, s12;
	s15 =	sadd.s32 $0x48000, s12  }
0xb: {  	s20 =	sshrl.u32 s16, $0x3;
	s17 =	sadd.s32 $0x9000, s16;
	s31 =	sadd.s32 $0xD800, s16  }
0xc: {  	s18 =	sadd.s32 $0x12000, s16;
	s8 =	sadd.s32 s8, s5;
	s9 =	ssub.s32 s6, s9  }
0xd: {  	s10 =	smul.u32 $0x240, s13;
	s11 =	sshrl.u32 s11, $0x2;
	s14 =	sshrl.u32 s14, $0x2  }
0xe: {  	s26 =	sshrl.u32 s15, $0x2;
	s30 =	smul.u32 $0x90, s13;
	s15 =	sadd.s32 s17, s2  }
0xf: {  	s22 =	sshrl.u32 s17, $0x3;
	s23 =	sshrl.u32 s31, $0x3;
	s17 =	sadd.s32 s18, s2  }
0x10: {  	s7 =	sadd.s32 s7, s5;
	s24 =	sadd.s32 $0x41400, s8;
	s8 =	smax.u32 s9, $0x1  }
0x11: {  	s9 =	sadd.s32 s25, s2;
	s11 =	sadd.s32 s11, s2;
	s12 =	sadd.s32 s14, s2  }
0x12: {  	s13 =	sadd.s32 s26, s2;
	s25 =	sshrl.u32 s18, $0x3;
	s18 =	simm.s32 $0x5000  }
0x13: {  	s26 =	simm.s32 $0x80;
	s5 =	sadd.s32 $0x37400, s7;
	s6 =	sadd.s32 $0x2D400, s7  }
0x14: {  	s7 =	sadd.s32 s16, s2;
	s10 =	sshrl.u32 s10, $0x2;
	s14 =	sadd.s32 s30, s2  }
0x15: {  	s21 =	sshrl.u32 s30, $0x3;
	s16 =	sadd.s32 s31, s2;
	s20 =	sadd.s32 s20, s24  }
0x16: {  	s22 =	sadd.s32 s22, s24;
	s23 =	sadd.s32 s23, s24;
	s10 =	sadd.s32 s10, s2  }
0x17: {  	v0 =	vimm.f32 $0.0e+00;
	s21 =	sadd.s32 s21, s24;
	s24 =	sadd.s32 s25, s24;
	s25 =	simm.s32 $0x2800  }
.LBB2_1:
0x18: {  	s30 =	simm.s32 $0x0;
	s31 =	simm.s32 $0x240  }
.LBB2_2:
0x19: {  	p0 =	sne.s32 s31, $0x11DC0;
	[tilespmem:s30+$0x5080] =	vst v0  }
0x1a: {  	[tilespmem:s30+$0x5000] =	vst v0  }
0x1b: {  	[tilespmem:s30+$0x5010] =	vst v0  }
0x1c: {  	[tilespmem:s30+$0x5020] =	vst v0  }
.Ltmp0:
0x1d: {  	[tilespmem:s30+$0x5030] =	vst v0;
	(pc) =	sbr.rel @p0 .LBB2_2-.Ltmp0, $4  }
0x1e: {  	[tilespmem:s30+$0x5040] =	vst v0  }
0x1f: {  	[tilespmem:s30+$0x5050] =	vst v0  }
0x20: {  	[tilespmem:s30+$0x5060] =	vst v0  }
0x21: {  	[tilespmem:s30+$0x5070] =	vst v0;
	s30 =	sshra.s32 s31, $0x2;
	s31 =	sadd.s32 $0x240, s31  }
0x22: {  	[tilespmem:s30+$0x5080] =	vst v0  }
0x23: {  	[tilespmem:s30+$0x5000] =	vst v0  }
0x24: {  	[tilespmem:s30+$0x5010] =	vst v0  }
0x25: {  	[tilespmem:s30+$0x5020] =	vst v0  }
0x26: {  	[tilespmem:s30+$0x5030] =	vst v0  }
0x27: {  	[tilespmem:s30+$0x5040] =	vst v0  }
0x28: {  	[tilespmem:s30+$0x5050] =	vst v0  }
0x29: {  	[tilespmem:s30+$0x5060] =	vst v0  }
0x2a: {  	[tilespmem:s30+$0x5070] =	vst v0  }
0x2b: {  	[spmem:s9] =	stream.linear.scatter [tilespmem:s18], [sflag:$0x2], $0x4800, $0x38;
	v63 =	vld [tilespmem:$0x0]  }
0x2c: {  	_ =	swait.ge [sflag:s19], $0x4800  }
0x2d: {  	[sflag:s19] =	ssyncset.done $0x0  }
0x2e: {  	[sflag:s19] =	ssyncadd.s32 $0xFFFFB800  }
0x2f: {  	[spmem:s10] =	stream.linear.scatter [tilespmem:s18], [sflag:$0x2], $0x4800, $0x38;
	v63 =	vld [tilespmem:$0x0]  }
0x30: {  	_ =	swait.ge [sflag:s19], $0x4800  }
0x31: {  	[sflag:s19] =	ssyncset.done $0x0  }
0x32: {  	[sflag:s19] =	ssyncadd.s32 $0xFFFFB800  }
0x33: {  	[spmem:s11] =	stream.linear.scatter [tilespmem:s18], [sflag:$0x2], $0x4800, $0x38;
	v63 =	vld [tilespmem:$0x0]  }
0x34: {  	_ =	swait.ge [sflag:s19], $0x4800  }
0x35: {  	[sflag:s19] =	ssyncset.done $0x0  }
0x36: {  	[sflag:s19] =	ssyncadd.s32 $0xFFFFB800  }
0x37: {  	[spmem:s12] =	stream.linear.scatter [tilespmem:s18], [sflag:$0x2], $0x4800, $0x38;
	v63 =	vld [tilespmem:$0x0]  }
0x38: {  	_ =	swait.ge [sflag:s19], $0x4800  }
0x39: {  	[sflag:s19] =	ssyncset.done $0x0  }
0x3a: {  	[sflag:s19] =	ssyncadd.s32 $0xFFFFB800  }
0x3b: {  	[spmem:s13] =	stream.linear.scatter [tilespmem:s18], [sflag:$0x2], $0x4800, $0x38;
	v63 =	vld [tilespmem:$0x0]  }
0x3c: {  	_ =	swait.ge [sflag:s19], $0x4800  }
0x3d: {  	[sflag:s19] =	ssyncset.done $0x0  }
0x3e: {  	[sflag:s19] =	ssyncadd.s32 $0xFFFFB800  }
0x3f: {  	s30 =	simm.s32 $0x0;
	[bflag:$0x0] =	sbarrier.arrive $0xFFFF  }
0x40: {  	[tilespmem:s30], [sflag:$0x2] =	stream.linear.gather [hbm4b:s5+s30], $0x2800, $0x38;
	v63 =	vld [tilespmem:$0x0]  }
0x41: {  	_ =	swait.ge [sflag:s19], $0x2800  }
0x42: {  	[sflag:s19] =	ssyncset.done $0x0  }
0x43: {  	[sflag:s19] =	ssyncadd.s32 $0xFFFFD800  }
0x44: {  	[tilespmem:s25], [sflag:$0x2] =	stream.linear.gather [hbm4b:s6+s30], $0x2800, $0x38;
	v63 =	vld [tilespmem:$0x0]  }
0x45: {  	_ =	swait.ge [sflag:s19], $0x2800  }
0x46: {  	[sflag:s19] =	ssyncset.done $0x0  }
0x47: {  	s30 =	simm.s32 $0x0;
	[sflag:s19] =	ssyncadd.s32 $0xFFFFD800  }
0x48: {  	[tilespmem:s18], [sflag:$0x1] =	stream.indirect.gather [hbm4b:s4+s26], $0x90, s30, s26, $0xb8;
	v63 =	vld [tilespmem:$0x0]  }
0x49: {  	_ =	swait.ge [sflag:s28], $0x4800  }
0x4a: {  	[sflag:s28] =	ssyncset.done $0x0  }
0x4b: {  	s30 =	simm.s32 $0x2800;
	[sflag:s28] =	ssyncadd.s32 $0xFFFFB800  }
0x4c: {  	[spmem:s2] =	stream.indirect.scatter.add.f32 [tilespmem:s18], [sflag:$0x2], $0x90, s30, s26, $0xb8;
	v63 =	vld [tilespmem:$0x0]  }
0x4d: {  	_ =	swait.ge [sflag:s19], $0x4800  }
0x4e: {  	s31 =	simm.s32 $0x400;
	s30 =	simm.s32 $0x200;
	[sflag:s19] =	ssyncset.done $0x0  }
.LBB2_4:
0x4f: {  	s0 =	sshra.s32 s30, $0x2  }
0x50: {  	[sflag:s19] =	ssyncadd.s32 $0xFFFFB800;
	s30 =	smov.u32 s31;
	s1 =	sadd.s32 $0x200, s31  }
0x51: {  	[tilespmem:s18], [sflag:$0x1] =	stream.indirect.gather [hbm4b:s4+s26], $0x90, s0, s26, $0xb8;
	v63 =	vld [tilespmem:$0x0]  }
0x52: {  	p0 =	sne.s32 s31, $0x9E00;
	_ =	swait.ge [sflag:s28], $0x4800  }
.Ltmp1:
0x53: {  	[sflag:s28] =	ssyncset.done $0x0;
	(pc) =	sbr.rel @p0 .LBB2_4-.Ltmp1, $4  }
0x54: {  	s0 =	sadd.s32 $0x2800, s0;
	[sflag:s28] =	ssyncadd.s32 $0xFFFFB800  }
0x55: {  	[spmem:s2] =	stream.indirect.scatter.add.f32 [tilespmem:s18], [sflag:$0x2], $0x90, s0, s26, $0xb8;
	v63 =	vld [tilespmem:$0x0]  }
0x56: {  	_ =	swait.ge [sflag:s19], $0x4800  }
0x57: {  	s31 =	smov.u32 s1;
	[sflag:s19] =	ssyncset.done $0x0  }
0x58: {  	s0 =	sshra.s32 s30, $0x2;
	[sflag:s19] =	ssyncadd.s32 $0xFFFFB800  }
0x59: {  	[tilespmem:s18], [sflag:$0x1] =	stream.indirect.gather [hbm4b:s4+s26], $0x90, s0, s26, $0xb8;
	v63 =	vld [tilespmem:$0x0]  }
0x5a: {  	_ =	swait.ge [sflag:s28], $0x4800  }
0x5b: {  	[sflag:s28] =	ssyncset.done $0x0  }
0x5c: {  	s0 =	sadd.s32 $0x2800, s0;
	[sflag:s28] =	ssyncadd.s32 $0xFFFFB800  }
0x5d: {  	[spmem:s2] =	stream.indirect.scatter.add.f32 [tilespmem:s18], [sflag:$0x2], $0x90, s0, s26, $0xb8;
	v63 =	vld [tilespmem:$0x0]  }
0x5e: {  	_ =	swait.ge [sflag:s19], $0x4800  }
0x5f: {  	[sflag:s19] =	ssyncset.done $0x0  }
0x60: {  	[sflag:s19] =	ssyncadd.s32 $0xFFFFB800  }
0x61: {  	[bflag:$0x0] =	sbarrier.arrive $0xFFFF  }
0x62: {  	[tilespmem:s18], [sflag:$0x2] =	stream.linear.gather [spmem:s7], $0x4800, $0x38;
	v63 =	vld [tilespmem:$0x0]  }
0x63: {  	_ =	swait.ge [sflag:s19], $0x4800  }
0x64: {  	[sflag:s19] =	ssyncset.done $0x0  }
0x65: {  	[sflag:s19] =	ssyncadd.s32 $0xFFFFB800  }
0x66: {  	[hbm4b:s20+s3] =	stream.linear.scatter [tilespmem:s18], [sflag:$0x2], $0x4800, $0x38;
	v63 =	vld [tilespmem:$0x0]  }
0x67: {  	_ =	swait.ge [sflag:s19], $0x4800  }
0x68: {  	[sflag:s19] =	ssyncset.done $0x0  }
0x69: {  	[sflag:s19] =	ssyncadd.s32 $0xFFFFB800  }
0x6a: {  	[tilespmem:s18], [sflag:$0x2] =	stream.linear.gather [spmem:s14], $0x4800, $0x38;
	v63 =	vld [tilespmem:$0x0]  }
0x6b: {  	_ =	swait.ge [sflag:s19], $0x4800  }
0x6c: {  	[sflag:s19] =	ssyncset.done $0x0  }
0x6d: {  	[sflag:s19] =	ssyncadd.s32 $0xFFFFB800  }
0x6e: {  	[hbm4b:s21+s3] =	stream.linear.scatter [tilespmem:s18], [sflag:$0x2], $0x4800, $0x38;
	v63 =	vld [tilespmem:$0x0]  }
0x6f: {  	_ =	swait.ge [sflag:s19], $0x4800  }
0x70: {  	[sflag:s19] =	ssyncset.done $0x0  }
0x71: {  	[sflag:s19] =	ssyncadd.s32 $0xFFFFB800  }
0x72: {  	[tilespmem:s18], [sflag:$0x2] =	stream.linear.gather [spmem:s15], $0x4800, $0x38;
	v63 =	vld [tilespmem:$0x0]  }
0x73: {  	_ =	swait.ge [sflag:s19], $0x4800  }
0x74: {  	[sflag:s19] =	ssyncset.done $0x0  }
0x75: {  	[sflag:s19] =	ssyncadd.s32 $0xFFFFB800  }
0x76: {  	[hbm4b:s22+s3] =	stream.linear.scatter [tilespmem:s18], [sflag:$0x2], $0x4800, $0x38;
	v63 =	vld [tilespmem:$0x0]  }
0x77: {  	_ =	swait.ge [sflag:s19], $0x4800  }
0x78: {  	[sflag:s19] =	ssyncset.done $0x0  }
0x79: {  	[sflag:s19] =	ssyncadd.s32 $0xFFFFB800  }
0x7a: {  	[tilespmem:s18], [sflag:$0x2] =	stream.linear.gather [spmem:s16], $0x4800, $0x38;
	v63 =	vld [tilespmem:$0x0]  }
0x7b: {  	_ =	swait.ge [sflag:s19], $0x4800  }
0x7c: {  	[sflag:s19] =	ssyncset.done $0x0  }
0x7d: {  	[sflag:s19] =	ssyncadd.s32 $0xFFFFB800  }
0x7e: {  	[hbm4b:s23+s3] =	stream.linear.scatter [tilespmem:s18], [sflag:$0x2], $0x4800, $0x38;
	v63 =	vld [tilespmem:$0x0]  }
0x7f: {  	_ =	swait.ge [sflag:s19], $0x4800  }
0x80: {  	[sflag:s19] =	ssyncset.done $0x0  }
0x81: {  	[sflag:s19] =	ssyncadd.s32 $0xFFFFB800  }
0x82: {  	[tilespmem:s18], [sflag:$0x2] =	stream.linear.gather [spmem:s17], $0x4800, $0x38;
	v63 =	vld [tilespmem:$0x0]  }
0x83: {  	s29 =	sadd.s32 $0x1, s29;
	_ =	swait.ge [sflag:s19], $0x4800  }
0x84: {  	p0 =	sne.s32 s29, s8;
	[sflag:s19] =	ssyncset.done $0x0  }
.Ltmp2:
0x85: {  	[sflag:s19] =	ssyncadd.s32 $0xFFFFB800;
	(pc) =	sbr.rel @p0 .LBB2_1-.Ltmp2, $4  }
0x86: {  	[hbm4b:s24+s3] =	stream.linear.scatter [tilespmem:s18], [sflag:$0x2], $0x4800, $0x38;
	v63 =	vld [tilespmem:$0x0]  }
0x87: {  	_ =	swait.ge [sflag:s19], $0x4800  }
0x88: {  	[sflag:s19] =	ssyncset.done $0x0  }
0x89: {  	[sflag:s19] =	ssyncadd.s32 $0xFFFFB800  }
0x8a: {  	_ =	sfence.sel $0x180000  }
0x8b: {  	[bflag:$0x0] =	sbarrier.arrive $0xFFFF  }
0x8c: {  	_ =	strace $0x90000047  }
0x8d: {  	s0 =	stileid.u32;
	[bflag:$0x2] =	sbarrier.arrive $0xFFFF  }
0x8e: {  	p0 =	sne.s32 s0, $0x0;
	s0 =	rddreg [dreg:$0x2]  }
0x8f: {  	s0 =	sadd.s32 @!p0 $0x100000, s0  }
0x90: {  	[sflag:s0] =	ssyncadd.tile.s32 @!p0 $0x1;
	_ =	shalt  }
.Lfunc_end2:
_tile_overlayer_lowered:
.L_overlay_start_2:
0x91: {  	(tag) =	ssettag $0x2  }
0x92: {  	s0 =	rddreg [dreg:$0x0];
	s2 =	stileid.u32  }
0x93: {  	s1 =	rddreg [dreg:$0x1];
	p0 =	sne.s32 s2, $0x0  }
0x94: {  	s3 =	rddreg [dreg:$0x2];
	[bflag:$0x3] =	sbarrier.arrive $0xFFFF;
	s2 =	simm.s32 @!p0 $0x1C02  }
0x95: {  	[timem:s3], [sflag:s2] =	dma.local @!p0 [hbm:s0], s1  }
0x96: {  	s0 =	simm.s32 @!p0 $0x2  }
0x97: {  	_ =	swait.ge @!p0 [sflag:s0], s1  }
0x98: {  	s1 =	ssub.s32 @!p0 $0x0, s1;
	[sflag:s0] =	ssyncset.done @!p0 $0x0  }
0x99: {  	[sflag:s0] =	ssyncadd.s32 @!p0 s1  }
0x9a: {  	[bflag:$0x3] =	sbarrier.arrive $0xFFFF  }
0x9b: {  	_ =	shalt  }

</sc_bundles>
